<compile_context>
chip_gen: v7x
topology: tpu7x:2x2x1
jax: 0.10.2.dev20260603
libtpu: 0.0.44.dev20260713+nightly
codegen_flags: <defaults>
</compile_context>

<pallas_src>
import functools

import jax
import jax.numpy as jnp
from jax import lax
from jax.experimental import pallas as pl
from jax.experimental.pallas import tpu as pltpu
from jax.experimental.pallas import tpu_sc as plsc

BS, Q, C1, T = 64, 1000, 1001, 100
NUM_CLASSES = C1 - 1

QT = 952
BB = 4
TP = 104

NC, NS, L = 2, 16, 16
NW = NC * NS
B_PER_W = BS // NW

R_CH = 48
SC_ROWS = Q - QT
N_FULL = SC_ROWS // R_CH
R_TAIL = SC_ROWS - N_FULL * R_CH

LN2 = 0.6931471805599453
P0, P1, P2, P3, P4, P5 = (-2.7868074212, 5.0468596346, -3.4924755918,
                          1.5938912717, -0.4048646480, 0.0434286849)


def _loss_kernel(tl_ref, logits_ref, pb_ref, tb_ref, out_ref):
    g = pl.program_id(0)

    s_lse = 0.0
    s_g = 0.0
    for i in range(BB):
        x = logits_ref[i]
        m = jnp.max(x, axis=-1)
        lse = m + jnp.log(jnp.sum(jnp.exp(x - m[:, None]), axis=-1))
        s_lse += jnp.sum(lse)

        cn = x[:, NUM_CLASSES:NUM_CLASSES + 1]
        unmatched = jax.lax.broadcasted_iota(jnp.int32, (QT, 1), 0) >= T
        s_g += jnp.sum(jnp.where(unmatched, cn, 0.0))

        labels = tl_ref[g * BB + i, 0]
        oh = jax.lax.broadcasted_iota(jnp.int32, (T, C1), 1) == labels[:, None]
        s_g += jnp.sum(jnp.where(oh, x[:T, :], 0.0))

    @pl.when(g == 0)
    def _():
        out_ref[0] = 0.0
        out_ref[1] = 0.0
        l1 = jnp.sum(jnp.abs(pb_ref[:, :T, :] - tb_ref[...]))
        out_ref[1] = l1 / (BS * T * 4)

    out_ref[0] += s_lse - s_g


def _log2_poly(s):
    bits = plsc.bitcast(s, jnp.int32)
    e = lax.shift_right_arithmetic(bits, 23) - 127
    mbits = lax.bitwise_or(lax.bitwise_and(bits, 0x007FFFFF), 0x3F800000)
    mant = plsc.bitcast(mbits, jnp.float32)
    p = P5
    for coef in (P4, P3, P2, P1, P0):
        p = p * mant + coef
    return e.astype(jnp.float32) + p


CU = 7

_CHUNKS = [(k, QT + i * R_CH, R_CH) for k in range(B_PER_W) for i in range(N_FULL)]
if R_TAIL:
    _CHUNKS = [(k, QT + i * R_CH, R_CH) if i < N_FULL else (k, QT + N_FULL * R_CH, R_TAIL)
               for k in range(B_PER_W) for i in range(N_FULL + 1)]


@functools.partial(
    pl.kernel,
    out_type=jax.ShapeDtypeStruct((NW * L,), jnp.float32),
    mesh=plsc.VectorSubcoreMesh(core_axis_name="c", subcore_axis_name="s"),
    compiler_params=pltpu.CompilerParams(needs_layout_passes=False),
    scratch_types=[
        pltpu.VMEM((R_CH, C1), jnp.float32),
        pltpu.VMEM((R_CH, C1), jnp.float32),
        pltpu.VMEM((L,), jnp.float32),
        pltpu.SemaphoreType.DMA,
        pltpu.SemaphoreType.DMA,
    ],
)
def _sc_tail_lse(lg_hbm, out_hbm, xbuf0, xbuf1, acc_v, sem0, sem1):
    wid = lax.axis_index("s") * NC + lax.axis_index("c")
    io = lax.iota(jnp.int32, L)
    bufs = (xbuf0, xbuf1)
    sems = (sem0, sem1)

    def start(i):
        k, q0, rows = _CHUNKS[i]
        b = wid * B_PER_W + k
        return pltpu.async_copy(lg_hbm.at[b, pl.ds(q0, rows)],
                                bufs[i % 2].at[pl.ds(0, rows)], sems[i % 2])

    total = jnp.zeros((L,), jnp.float32)
    handles = {0: start(0)}
    for i, (k, q0, rows) in enumerate(_CHUNKS):
        if i + 1 < len(_CHUNKS):
            handles[i + 1] = start(i + 1)
        handles.pop(i).wait()
        xbuf = bufs[i % 2]
        for grp in range((rows + L - 1) // L):
            base = grp * L
            nvalid = min(rows - base, L)
            row16 = jnp.full((L,), base, jnp.int32) + io

            def col_body(c, accs):
                new = []
                for j in range(CU):
                    col = plsc.load_gather(
                        xbuf, [row16, jnp.full((L,), c * CU + j, jnp.int32)])
                    new.append(accs[j] + jnp.exp(col))
                return tuple(new)

            accs = lax.fori_loop(0, C1 // CU, col_body,
                                 (jnp.zeros((L,), jnp.float32),) * CU)
            s = accs[0]
            for j in range(1, CU):
                s = s + accs[j]
            gcol = plsc.load_gather(
                xbuf, [row16, jnp.full((L,), NUM_CLASSES, jnp.int32)])
            if nvalid < L:
                s = jnp.where(io < nvalid, s, 1.0)
                gcol = jnp.where(io < nvalid, gcol, 0.0)
            total = total + LN2 * _log2_poly(s) - gcol

    acc_v[...] = total
    pltpu.sync_copy(acc_v, out_hbm.at[pl.ds(wid * L, L)])


def kernel(pred_logits, pred_boxes, tgt_boxes, tgt_labels):
    tl3 = tgt_labels.astype(jnp.int32).reshape(BS, 1, T)

    sc_part = _sc_tail_lse(pred_logits)

    pb_s = lax.slice(pred_boxes, (0, 0, 0), (BS, TP, 4))

    tc_part = pl.pallas_call(
        _loss_kernel,
        grid=(BS // BB,),
        in_specs=[
            pl.BlockSpec((BS, 1, T), lambda b: (0, 0, 0)),
            pl.BlockSpec((BB, QT, C1), lambda b: (b, 0, 0)),
            pl.BlockSpec((BS, TP, 4), lambda b: (0, 0, 0)),
            pl.BlockSpec((BS, T, 4), lambda b: (0, 0, 0)),
        ],
        out_specs=pl.BlockSpec(memory_space=pltpu.SMEM),
        out_shape=jax.ShapeDtypeStruct((2,), jnp.float32),
    )(tl3, pred_logits, pb_s, tgt_boxes)

    label_loss = (tc_part[0] + jnp.sum(sc_part)) / (BS * Q)
    return jnp.stack([label_loss, tc_part[1]])

# --- scband reference (transcript-rebuilt; emitter-appended) ---
"""Pipeline reference for scband-set-criterion-38397007626957 (READ-ONLY COPY).

The authoritative reference and input builder live on the scoring server;
editing this copy changes nothing except your own understanding.
"""

import jax, jax.numpy as jnp
import numpy as np

BS, Q, NUM_CLASSES, T = 64, 1000, 1000, 100

def setup_inputs(seed: int = 0) -> dict:
    key = jax.random.key(seed)
    k1, k2, k3, k4 = jax.random.split(key, 4)
    pred_logits = jax.random.normal(k1, (BS, Q, NUM_CLASSES + 1), dtype=jnp.float32)
    pred_boxes = jax.random.uniform(k2, (BS, Q, 4), dtype=jnp.float32)
    tgt_boxes = jax.random.uniform(k3, (BS, T, 4), dtype=jnp.float32)
    tgt_labels = jax.random.randint(k4, (BS, T), 0, NUM_CLASSES)
    return {"pred_logits": pred_logits, "pred_boxes": pred_boxes, "tgt_boxes": tgt_boxes, "tgt_labels": tgt_labels}

def reference(pred_logits, pred_boxes, tgt_boxes, tgt_labels):
    bs, q, c1 = pred_logits.shape
    t = tgt_labels.shape[1]
    num_classes = c1 - 1
    # matcher (injected dependency): deterministic identity matching,
    # src query i <-> ground-truth i for each batch element
    batch_idx = jnp.repeat(jnp.arange(bs, dtype=jnp.int32), t)
    src_idx = jnp.tile(jnp.arange(t, dtype=jnp.int32), bs)
    # loss_labels: fill target map with no-object class, scatter matched GT labels
    target_classes_o = tgt_labels.reshape(-1)
    target_classes = jnp.full((bs, q), num_classes, dtype=jnp.int32)
    target_classes = target_classes.at[batch_idx, src_idx].set(target_classes_o.astype(jnp.int32))
    log_probs = jax.nn.log_softmax(pred_logits, axis=-1)
    nll = -jnp.take_along_axis(log_probs, target_classes[..., None].astype(jnp.int32), axis=-1)[..., 0]
    label_loss = jnp.mean(nll)  # F.cross_entropy default mean over bs*Q
    # loss_boxes: gather matched predicted boxes, L1 loss (mean)
    target_boxes = tgt_boxes.reshape(-1, 4)
    src_boxes = pred_boxes[batch_idx, src_idx]
    boxes_loss = jnp.mean(jnp.abs(target_boxes - src_boxes))
    return jnp.stack([label_loss, boxes_loss])

if __name__ == "__main__":
    import jax
    _d = setup_inputs()
    print(jax.jit(kernel)(*tuple(_d.values())))

</pallas_src>

<mosaic_0001>
#map = affine_map<(d0, d1) -> (0, 0, 0)>
#map1 = affine_map<(d0, d1) -> (0)>
module attributes {stable_mosaic.version = 14 : i64} {
  func.func @_sc_tail_lse(%arg0: i32, %arg1: i32, %arg2: memref<64x1000x1001xf32, #tpu.memory_space<hbm>>, %arg3: memref<512xf32, #tpu.memory_space<hbm>>, %arg4: memref<48x1001xf32, #tpu.memory_space<vmem>>, %arg5: memref<48x1001xf32, #tpu.memory_space<vmem>>, %arg6: memref<16xf32, #tpu.memory_space<vmem>>, %arg7: memref<!tpu.dma_semaphore, #tpu.memory_space<semaphore_mem>>, %arg8: memref<!tpu.dma_semaphore, #tpu.memory_space<semaphore_mem>>) attributes {dimension_semantics = [#tpu.dimension_semantics<core_parallel>, #tpu.dimension_semantics<subcore_parallel>], iteration_bounds = array<i64: 2, 16>, scalar_prefetch = 0 : i64, scratch_operands = 5 : i64, tpu.core_type = #tpu.core_type<sc_vector_subcore>, window_params = [{transform_indices = #map}, {transform_indices = #map1}]} {
    %mul3A = arith.constant 2 : i32
    %mul3A_0 = arith.muli %arg1, %mul3A : i32
    %add3A = arith.addi %mul3A_0, %arg0 : i32
    %iota3A = tpu.iota {dimensions = array<i32: 0>} : vector<16xi32>
    %broadcast_in_dim3A = arith.constant 0.000000e+00 : f32
    %broadcast_in_dim3A_1 = vector.broadcast %broadcast_in_dim3A : f32 to vector<16xf32>
    %mul3A_2 = arith.constant 2 : i32
    %mul3A_3 = arith.muli %add3A, %mul3A_2 : i32
    %add3A_4 = arith.constant 0 : i32
    %add3A_5 = arith.addi %mul3A_3, %add3A_4 : i32
    %dma_start3A = arith.constant 0 : i32
    %dma_start3A_6 = arith.constant 0 : i32
    %dma_start3A_7 = tpu.memref_slice %arg4[%dma_start3A, %dma_start3A_6] : memref<48x1001xf32, #tpu.memory_space<vmem>> -> memref<48x1001xf32, #tpu.memory_space<vmem>>
    %dma_start3A_8 = arith.constant 952 : i32
    %dma_start3A_9 = arith.constant 0 : i32
    %dma_start3A_10 = tpu.memref_slice %arg2[%add3A_5, %dma_start3A_8, %dma_start3A_9] : memref<64x1000x1001xf32, #tpu.memory_space<hbm>> -> memref<1x48x1001xf32, #tpu.memory_space<hbm>>
    %dma_start3A_11 = tpu.memref_squeeze %dma_start3A_10 : memref<1x48x1001xf32, #tpu.memory_space<hbm>> -> memref<48x1001xf32, #tpu.memory_space<hbm>>
    %dma_start3A_12 = arith.constant 0 : i32
    %dma_start3A_13 = arith.constant 0 : i32
    %dma_start3A_14 = tpu.memref_slice %arg4[%dma_start3A_12, %dma_start3A_13] : memref<48x1001xf32, #tpu.memory_space<vmem>> -> memref<48x1001xf32, #tpu.memory_space<vmem>>
    %dma_start3A_15 = arith.constant 952 : i32
    %dma_start3A_16 = arith.constant 0 : i32
    %dma_start3A_17 = tpu.memref_slice %arg2[%add3A_5, %dma_start3A_15, %dma_start3A_16] : memref<64x1000x1001xf32, #tpu.memory_space<hbm>> -> memref<1x48x1001xf32, #tpu.memory_space<hbm>>
    %dma_start3A_18 = tpu.memref_squeeze %dma_start3A_17 : memref<1x48x1001xf32, #tpu.memory_space<hbm>> -> memref<48x1001xf32, #tpu.memory_space<hbm>>
    tpu.enqueue_dma source(%dma_start3A_18 : memref<48x1001xf32, #tpu.memory_space<hbm>>) target(%dma_start3A_14 : memref<48x1001xf32, #tpu.memory_space<vmem>>) target_semaphore(%arg7 : memref<!tpu.dma_semaphore, #tpu.memory_space<semaphore_mem>>)
    %mul3A_19 = arith.constant 2 : i32
    %mul3A_20 = arith.muli %add3A, %mul3A_19 : i32
    %add3A_21 = arith.constant 1 : i32
    %add3A_22 = arith.addi %mul3A_20, %add3A_21 : i32
    %dma_start3A_23 = arith.constant 0 : i32
    %dma_start3A_24 = arith.constant 0 : i32
    %dma_start3A_25 = tpu.memref_slice %arg5[%dma_start3A_23, %dma_start3A_24] : memref<48x1001xf32, #tpu.memory_space<vmem>> -> memref<48x1001xf32, #tpu.memory_space<vmem>>
    %dma_start3A_26 = arith.constant 952 : i32
    %dma_start3A_27 = arith.constant 0 : i32
    %dma_start3A_28 = tpu.memref_slice %arg2[%add3A_22, %dma_start3A_26, %dma_start3A_27] : memref<64x1000x1001xf32, #tpu.memory_space<hbm>> -> memref<1x48x1001xf32, #tpu.memory_space<hbm>>
    %dma_start3A_29 = tpu.memref_squeeze %dma_start3A_28 : memref<1x48x1001xf32, #tpu.memory_space<hbm>> -> memref<48x1001xf32, #tpu.memory_space<hbm>>
    %dma_start3A_30 = arith.constant 0 : i32
    %dma_start3A_31 = arith.constant 0 : i32
    %dma_start3A_32 = tpu.memref_slice %arg5[%dma_start3A_30, %dma_start3A_31] : memref<48x1001xf32, #tpu.memory_space<vmem>> -> memref<48x1001xf32, #tpu.memory_space<vmem>>
    %dma_start3A_33 = arith.constant 952 : i32
    %dma_start3A_34 = arith.constant 0 : i32
    %dma_start3A_35 = tpu.memref_slice %arg2[%add3A_22, %dma_start3A_33, %dma_start3A_34] : memref<64x1000x1001xf32, #tpu.memory_space<hbm>> -> memref<1x48x1001xf32, #tpu.memory_space<hbm>>
    %dma_start3A_36 = tpu.memref_squeeze %dma_start3A_35 : memref<1x48x1001xf32, #tpu.memory_space<hbm>> -> memref<48x1001xf32, #tpu.memory_space<hbm>>
    tpu.enqueue_dma source(%dma_start3A_36 : memref<48x1001xf32, #tpu.memory_space<hbm>>) target(%dma_start3A_32 : memref<48x1001xf32, #tpu.memory_space<vmem>>) target_semaphore(%arg8 : memref<!tpu.dma_semaphore, #tpu.memory_space<semaphore_mem>>)
    %dma_wait3A = arith.constant 0 : i32
    %dma_wait3A_37 = arith.constant 0 : i32
    %dma_wait3A_38 = tpu.memref_slice %arg4[%dma_wait3A, %dma_wait3A_37] : memref<48x1001xf32, #tpu.memory_space<vmem>> -> memref<48x1001xf32, #tpu.memory_space<vmem>>
    %dma_wait3A_39 = arith.constant 952 : i32
    %dma_wait3A_40 = arith.constant 0 : i32
    %dma_wait3A_41 = tpu.memref_slice %arg2[%add3A_5, %dma_wait3A_39, %dma_wait3A_40] : memref<64x1000x1001xf32, #tpu.memory_space<hbm>> -> memref<1x48x1001xf32, #tpu.memory_space<hbm>>
    %dma_wait3A_42 = tpu.memref_squeeze %dma_wait3A_41 : memref<1x48x1001xf32, #tpu.memory_space<hbm>> -> memref<48x1001xf32, #tpu.memory_space<hbm>>
    %dma_wait3A_43 = arith.constant 0 : i32
    %dma_wait3A_44 = arith.constant 0 : i32
    %dma_wait3A_45 = tpu.memref_slice %arg4[%dma_wait3A_43, %dma_wait3A_44] : memref<48x1001xf32, #tpu.memory_space<vmem>> -> memref<48x1001xf32, #tpu.memory_space<vmem>>
    %dma_wait3A_46 = arith.constant 952 : i32
    %dma_wait3A_47 = arith.constant 0 : i32
    %dma_wait3A_48 = tpu.memref_slice %arg2[%add3A_5, %dma_wait3A_46, %dma_wait3A_47] : memref<64x1000x1001xf32, #tpu.memory_space<hbm>> -> memref<1x48x1001xf32, #tpu.memory_space<hbm>>
    %dma_wait3A_49 = tpu.memref_squeeze %dma_wait3A_48 : memref<1x48x1001xf32, #tpu.memory_space<hbm>> -> memref<48x1001xf32, #tpu.memory_space<hbm>>
    tpu.wait_dma2 semaphore(%arg7 : memref<!tpu.dma_semaphore, #tpu.memory_space<semaphore_mem>>) src(%dma_wait3A_49 : memref<48x1001xf32, #tpu.memory_space<hbm>>) dst(%dma_wait3A_45 : memref<48x1001xf32, #tpu.memory_space<vmem>>)
    %broadcast_in_dim3A_50 = arith.constant 0 : i32
    %broadcast_in_dim3A_51 = vector.broadcast %broadcast_in_dim3A_50 : i32 to vector<16xi32>
    %add3A_52 = arith.addi %broadcast_in_dim3A_51, %iota3A : vector<16xi32>
    %broadcast_in_dim3A_53 = arith.constant 0.000000e+00 : f32
    %broadcast_in_dim3A_54 = vector.broadcast %broadcast_in_dim3A_53 : f32 to vector<16xf32>
    %scan3A = arith.constant 0 : i32
    %scan3A_55 = arith.constant 143 : i32
    %scan3A_56 = arith.addi %scan3A, %scan3A_55 : i32
    %scan3A_57 = arith.constant 1 : i32
    %scan3A_58:7 = scf.for %scan3A_437 = %scan3A to %scan3A_56 step %scan3A_57 iter_args(%scan3A_438 = %broadcast_in_dim3A_54, %scan3A_439 = %broadcast_in_dim3A_54, %scan3A_440 = %broadcast_in_dim3A_54, %scan3A_441 = %broadcast_in_dim3A_54, %scan3A_442 = %broadcast_in_dim3A_54, %scan3A_443 = %broadcast_in_dim3A_54, %scan3A_444 = %broadcast_in_dim3A_54) -> (vector<16xf32>, vector<16xf32>, vector<16xf32>, vector<16xf32>, vector<16xf32>, vector<16xf32>, vector<16xf32>)  : i32 {
      %mul3A_445 = arith.constant 7 : i32
      %mul3A_446 = arith.muli %scan3A_437, %mul3A_445 : i32
      %add3A_447 = arith.constant 0 : i32
      %add3A_448 = arith.addi %mul3A_446, %add3A_447 : i32
      %broadcast_in_dim3A_449 = vector.broadcast %add3A_448 : i32 to vector<16xi32>
      %gather3A_450 = tpu.vector_load_idx %arg4[%add3A_52, %broadcast_in_dim3A_449] : memref<48x1001xf32, #tpu.memory_space<vmem>>[vector<16xi32>, vector<16xi32>], vector<16xf32>,
      %exp3A = math.exp %gather3A_450 : vector<16xf32>
      %add3A_451 = arith.addf %scan3A_438, %exp3A : vector<16xf32>
      %mul3A_452 = arith.constant 7 : i32
      %mul3A_453 = arith.muli %scan3A_437, %mul3A_452 : i32
      %add3A_454 = arith.constant 1 : i32
      %add3A_455 = arith.addi %mul3A_453, %add3A_454 : i32
      %broadcast_in_dim3A_456 = vector.broadcast %add3A_455 : i32 to vector<16xi32>
      %gather3A_457 = tpu.vector_load_idx %arg4[%add3A_52, %broadcast_in_dim3A_456] : memref<48x1001xf32, #tpu.memory_space<vmem>>[vector<16xi32>, vector<16xi32>], vector<16xf32>,
      %exp3A_458 = math.exp %gather3A_457 : vector<16xf32>
      %add3A_459 = arith.addf %scan3A_439, %exp3A_458 : vector<16xf32>
      %mul3A_460 = arith.constant 7 : i32
      %mul3A_461 = arith.muli %scan3A_437, %mul3A_460 : i32
      %add3A_462 = arith.constant 2 : i32
      %add3A_463 = arith.addi %mul3A_461, %add3A_462 : i32
      %broadcast_in_dim3A_464 = vector.broadcast %add3A_463 : i32 to vector<16xi32>
      %gather3A_465 = tpu.vector_load_idx %arg4[%add3A_52, %broadcast_in_dim3A_464] : memref<48x1001xf32, #tpu.memory_space<vmem>>[vector<16xi32>, vector<16xi32>], vector<16xf32>,
      %exp3A_466 = math.exp %gather3A_465 : vector<16xf32>
      %add3A_467 = arith.addf %scan3A_440, %exp3A_466 : vector<16xf32>
      %mul3A_468 = arith.constant 7 : i32
      %mul3A_469 = arith.muli %scan3A_437, %mul3A_468 : i32
      %add3A_470 = arith.constant 3 : i32
      %add3A_471 = arith.addi %mul3A_469, %add3A_470 : i32
      %broadcast_in_dim3A_472 = vector.broadcast %add3A_471 : i32 to vector<16xi32>
      %gather3A_473 = tpu.vector_load_idx %arg4[%add3A_52, %broadcast_in_dim3A_472] : memref<48x1001xf32, #tpu.memory_space<vmem>>[vector<16xi32>, vector<16xi32>], vector<16xf32>,
      %exp3A_474 = math.exp %gather3A_473 : vector<16xf32>
      %add3A_475 = arith.addf %scan3A_441, %exp3A_474 : vector<16xf32>
      %mul3A_476 = arith.constant 7 : i32
      %mul3A_477 = arith.muli %scan3A_437, %mul3A_476 : i32
      %add3A_478 = arith.constant 4 : i32
      %add3A_479 = arith.addi %mul3A_477, %add3A_478 : i32
      %broadcast_in_dim3A_480 = vector.broadcast %add3A_479 : i32 to vector<16xi32>
      %gather3A_481 = tpu.vector_load_idx %arg4[%add3A_52, %broadcast_in_dim3A_480] : memref<48x1001xf32, #tpu.memory_space<vmem>>[vector<16xi32>, vector<16xi32>], vector<16xf32>,
      %exp3A_482 = math.exp %gather3A_481 : vector<16xf32>
      %add3A_483 = arith.addf %scan3A_442, %exp3A_482 : vector<16xf32>
      %mul3A_484 = arith.constant 7 : i32
      %mul3A_485 = arith.muli %scan3A_437, %mul3A_484 : i32
      %add3A_486 = arith.constant 5 : i32
      %add3A_487 = arith.addi %mul3A_485, %add3A_486 : i32
      %broadcast_in_dim3A_488 = vector.broadcast %add3A_487 : i32 to vector<16xi32>
      %gather3A_489 = tpu.vector_load_idx %arg4[%add3A_52, %broadcast_in_dim3A_488] : memref<48x1001xf32, #tpu.memory_space<vmem>>[vector<16xi32>, vector<16xi32>], vector<16xf32>,
      %exp3A_490 = math.exp %gather3A_489 : vector<16xf32>
      %add3A_491 = arith.addf %scan3A_443, %exp3A_490 : vector<16xf32>
      %mul3A_492 = arith.constant 7 : i32
      %mul3A_493 = arith.muli %scan3A_437, %mul3A_492 : i32
      %add3A_494 = arith.constant 6 : i32
      %add3A_495 = arith.addi %mul3A_493, %add3A_494 : i32
      %broadcast_in_dim3A_496 = vector.broadcast %add3A_495 : i32 to vector<16xi32>
      %gather3A_497 = tpu.vector_load_idx %arg4[%add3A_52, %broadcast_in_dim3A_496] : memref<48x1001xf32, #tpu.memory_space<vmem>>[vector<16xi32>, vector<16xi32>], vector<16xf32>,
      %exp3A_498 = math.exp %gather3A_497 : vector<16xf32>
      %add3A_499 = arith.addf %scan3A_444, %exp3A_498 : vector<16xf32>
      scf.yield %add3A_451, %add3A_459, %add3A_467, %add3A_475, %add3A_483, %add3A_491, %add3A_499 : vector<16xf32>, vector<16xf32>, vector<16xf32>, vector<16xf32>, vector<16xf32>, vector<16xf32>, vector<16xf32>
    }
    %scan3A_59 = arith.constant 143 : i32
    %add3A_60 = arith.addf %scan3A_58#0, %scan3A_58#1 : vector<16xf32>
    %add3A_61 = arith.addf %add3A_60, %scan3A_58#2 : vector<16xf32>
    %add3A_62 = arith.addf %add3A_61, %scan3A_58#3 : vector<16xf32>
    %add3A_63 = arith.addf %add3A_62, %scan3A_58#4 : vector<16xf32>
    %add3A_64 = arith.addf %add3A_63, %scan3A_58#5 : vector<16xf32>
    %add3A_65 = arith.addf %add3A_64, %scan3A_58#6 : vector<16xf32>
    %broadcast_in_dim3A_66 = arith.constant 1000 : i32
    %broadcast_in_dim3A_67 = vector.broadcast %broadcast_in_dim3A_66 : i32 to vector<16xi32>
    %gather3A = tpu.vector_load_idx %arg4[%add3A_52, %broadcast_in_dim3A_67] : memref<48x1001xf32, #tpu.memory_space<vmem>>[vector<16xi32>, vector<16xi32>], vector<16xf32>,
    %bitcast3A = vector.bitcast %add3A_65 : vector<16xf32> to vector<16xi32>
    %shift_right_arithmetic3A = arith.constant 23 : i32
    %shift_right_arithmetic3A_68 = vector.broadcast %shift_right_arithmetic3A : i32 to vector<16xi32>
    %shift_right_arithmetic3A_69 = arith.shrsi %bitcast3A, %shift_right_arithmetic3A_68 : vector<16xi32>
    %sub3A = arith.constant 127 : i32
    %sub3A_70 = vector.broadcast %sub3A : i32 to vector<16xi32>
    %sub3A_71 = arith.subi %shift_right_arithmetic3A_69, %sub3A_70 : vector<16xi32>
    %and3A = arith.constant 8388607 : i32
    %and3A_72 = vector.broadcast %and3A : i32 to vector<16xi32>
    %and3A_73 = arith.andi %bitcast3A, %and3A_72 : vector<16xi32>
    %or3A = arith.constant 1065353216 : i32
    %or3A_74 = vector.broadcast %or3A : i32 to vector<16xi32>
    %or3A_75 = arith.ori %and3A_73, %or3A_74 : vector<16xi32>
    %bitcast3A_76 = vector.bitcast %or3A_75 : vector<16xi32> to vector<16xf32>
    %mul3A_77 = arith.constant 0.0434286855 : f32
    %mul3A_78 = vector.broadcast %mul3A_77 : f32 to vector<16xf32>
    %mul3A_79 = arith.mulf %mul3A_78, %bitcast3A_76 : vector<16xf32>
    %add3A_80 = arith.constant -0.404864639 : f32
    %add3A_81 = vector.broadcast %add3A_80 : f32 to vector<16xf32>
    %add3A_82 = arith.addf %mul3A_79, %add3A_81 : vector<16xf32>
    %mul3A_83 = arith.mulf %add3A_82, %bitcast3A_76 : vector<16xf32>
    %add3A_84 = arith.constant 1.59389126 : f32
    %add3A_85 = vector.broadcast %add3A_84 : f32 to vector<16xf32>
    %add3A_86 = arith.addf %mul3A_83, %add3A_85 : vector<16xf32>
    %mul3A_87 = arith.mulf %add3A_86, %bitcast3A_76 : vector<16xf32>
    %add3A_88 = arith.constant -3.49247551 : f32
    %add3A_89 = vector.broadcast %add3A_88 : f32 to vector<16xf32>
    %add3A_90 = arith.addf %mul3A_87, %add3A_89 : vector<16xf32>
    %mul3A_91 = arith.mulf %add3A_90, %bitcast3A_76 : vector<16xf32>
    %add3A_92 = arith.constant 5.04685974 : f32
    %add3A_93 = vector.broadcast %add3A_92 : f32 to vector<16xf32>
    %add3A_94 = arith.addf %mul3A_91, %add3A_93 : vector<16xf32>
    %mul3A_95 = arith.mulf %add3A_94, %bitcast3A_76 : vector<16xf32>
    %add3A_96 = arith.constant -2.78680754 : f32
    %add3A_97 = vector.broadcast %add3A_96 : f32 to vector<16xf32>
    %add3A_98 = arith.addf %mul3A_95, %add3A_97 : vector<16xf32>
    %convert_element_type3A = arith.sitofp %sub3A_71 : vector<16xi32> to vector<16xf32>
    %add3A_99 = arith.addf %convert_element_type3A, %add3A_98 : vector<16xf32>
    %mul3A_100 = arith.constant 0.693147182 : f32
    %mul3A_101 = vector.broadcast %mul3A_100 : f32 to vector<16xf32>
    %mul3A_102 = arith.mulf %mul3A_101, %add3A_99 : vector<16xf32>
    %add3A_103 = arith.addf %broadcast_in_dim3A_1, %mul3A_102 : vector<16xf32>
    %sub3A_104 = arith.subf %add3A_103, %gather3A : vector<16xf32>
    %broadcast_in_dim3A_105 = arith.constant 16 : i32
    %broadcast_in_dim3A_106 = vector.broadcast %broadcast_in_dim3A_105 : i32 to vector<16xi32>
    %add3A_107 = arith.addi %broadcast_in_dim3A_106, %iota3A : vector<16xi32>
    %broadcast_in_dim3A_108 = arith.constant 0.000000e+00 : f32
    %broadcast_in_dim3A_109 = vector.broadcast %broadcast_in_dim3A_108 : f32 to vector<16xf32>
    %scan3A_110 = arith.constant 0 : i32
    %scan3A_111 = arith.constant 143 : i32
    %scan3A_112 = arith.addi %scan3A_110, %scan3A_111 : i32
    %scan3A_113 = arith.constant 1 : i32
    %scan3A_114:7 = scf.for %scan3A_437 = %scan3A_110 to %scan3A_112 step %scan3A_113 iter_args(%scan3A_438 = %broadcast_in_dim3A_109, %scan3A_439 = %broadcast_in_dim3A_109, %scan3A_440 = %broadcast_in_dim3A_109, %scan3A_441 = %broadcast_in_dim3A_109, %scan3A_442 = %broadcast_in_dim3A_109, %scan3A_443 = %broadcast_in_dim3A_109, %scan3A_444 = %broadcast_in_dim3A_109) -> (vector<16xf32>, vector<16xf32>, vector<16xf32>, vector<16xf32>, vector<16xf32>, vector<16xf32>, vector<16xf32>)  : i32 {
      %mul3A_445 = arith.constant 7 : i32
      %mul3A_446 = arith.muli %scan3A_437, %mul3A_445 : i32
      %add3A_447 = arith.constant 0 : i32
      %add3A_448 = arith.addi %mul3A_446, %add3A_447 : i32
      %broadcast_in_dim3A_449 = vector.broadcast %add3A_448 : i32 to vector<16xi32>
      %gather3A_450 = tpu.vector_load_idx %arg4[%add3A_107, %broadcast_in_dim3A_449] : memref<48x1001xf32, #tpu.memory_space<vmem>>[vector<16xi32>, vector<16xi32>], vector<16xf32>,
      %exp3A = math.exp %gather3A_450 : vector<16xf32>
      %add3A_451 = arith.addf %scan3A_438, %exp3A : vector<16xf32>
      %mul3A_452 = arith.constant 7 : i32
      %mul3A_453 = arith.muli %scan3A_437, %mul3A_452 : i32
      %add3A_454 = arith.constant 1 : i32
      %add3A_455 = arith.addi %mul3A_453, %add3A_454 : i32
      %broadcast_in_dim3A_456 = vector.broadcast %add3A_455 : i32 to vector<16xi32>
      %gather3A_457 = tpu.vector_load_idx %arg4[%add3A_107, %broadcast_in_dim3A_456] : memref<48x1001xf32, #tpu.memory_space<vmem>>[vector<16xi32>, vector<16xi32>], vector<16xf32>,
      %exp3A_458 = math.exp %gather3A_457 : vector<16xf32>
      %add3A_459 = arith.addf %scan3A_439, %exp3A_458 : vector<16xf32>
      %mul3A_460 = arith.constant 7 : i32
      %mul3A_461 = arith.muli %scan3A_437, %mul3A_460 : i32
      %add3A_462 = arith.constant 2 : i32
      %add3A_463 = arith.addi %mul3A_461, %add3A_462 : i32
      %broadcast_in_dim3A_464 = vector.broadcast %add3A_463 : i32 to vector<16xi32>
      %gather3A_465 = tpu.vector_load_idx %arg4[%add3A_107, %broadcast_in_dim3A_464] : memref<48x1001xf32, #tpu.memory_space<vmem>>[vector<16xi32>, vector<16xi32>], vector<16xf32>,
      %exp3A_466 = math.exp %gather3A_465 : vector<16xf32>
      %add3A_467 = arith.addf %scan3A_440, %exp3A_466 : vector<16xf32>
      %mul3A_468 = arith.constant 7 : i32
      %mul3A_469 = arith.muli %scan3A_437, %mul3A_468 : i32
      %add3A_470 = arith.constant 3 : i32
      %add3A_471 = arith.addi %mul3A_469, %add3A_470 : i32
      %broadcast_in_dim3A_472 = vector.broadcast %add3A_471 : i32 to vector<16xi32>
      %gather3A_473 = tpu.vector_load_idx %arg4[%add3A_107, %broadcast_in_dim3A_472] : memref<48x1001xf32, #tpu.memory_space<vmem>>[vector<16xi32>, vector<16xi32>], vector<16xf32>,
      %exp3A_474 = math.exp %gather3A_473 : vector<16xf32>
      %add3A_475 = arith.addf %scan3A_441, %exp3A_474 : vector<16xf32>
      %mul3A_476 = arith.constant 7 : i32
      %mul3A_477 = arith.muli %scan3A_437, %mul3A_476 : i32
      %add3A_478 = arith.constant 4 : i32
      %add3A_479 = arith.addi %mul3A_477, %add3A_478 : i32
      %broadcast_in_dim3A_480 = vector.broadcast %add3A_479 : i32 to vector<16xi32>
      %gather3A_481 = tpu.vector_load_idx %arg4[%add3A_107, %broadcast_in_dim3A_480] : memref<48x1001xf32, #tpu.memory_space<vmem>>[vector<16xi32>, vector<16xi32>], vector<16xf32>,
      %exp3A_482 = math.exp %gather3A_481 : vector<16xf32>
      %add3A_483 = arith.addf %scan3A_442, %exp3A_482 : vector<16xf32>
      %mul3A_484 = arith.constant 7 : i32
      %mul3A_485 = arith.muli %scan3A_437, %mul3A_484 : i32
      %add3A_486 = arith.constant 5 : i32
      %add3A_487 = arith.addi %mul3A_485, %add3A_486 : i32
      %broadcast_in_dim3A_488 = vector.broadcast %add3A_487 : i32 to vector<16xi32>
      %gather3A_489 = tpu.vector_load_idx %arg4[%add3A_107, %broadcast_in_dim3A_488] : memref<48x1001xf32, #tpu.memory_space<vmem>>[vector<16xi32>, vector<16xi32>], vector<16xf32>,
      %exp3A_490 = math.exp %gather3A_489 : vector<16xf32>
      %add3A_491 = arith.addf %scan3A_443, %exp3A_490 : vector<16xf32>
      %mul3A_492 = arith.constant 7 : i32
      %mul3A_493 = arith.muli %scan3A_437, %mul3A_492 : i32
      %add3A_494 = arith.constant 6 : i32
      %add3A_495 = arith.addi %mul3A_493, %add3A_494 : i32
      %broadcast_in_dim3A_496 = vector.broadcast %add3A_495 : i32 to vector<16xi32>
      %gather3A_497 = tpu.vector_load_idx %arg4[%add3A_107, %broadcast_in_dim3A_496] : memref<48x1001xf32, #tpu.memory_space<vmem>>[vector<16xi32>, vector<16xi32>], vector<16xf32>,
      %exp3A_498 = math.exp %gather3A_497 : vector<16xf32>
      %add3A_499 = arith.addf %scan3A_444, %exp3A_498 : vector<16xf32>
      scf.yield %add3A_451, %add3A_459, %add3A_467, %add3A_475, %add3A_483, %add3A_491, %add3A_499 : vector<16xf32>, vector<16xf32>, vector<16xf32>, vector<16xf32>, vector<16xf32>, vector<16xf32>, vector<16xf32>
    }
    %scan3A_115 = arith.constant 143 : i32
    %add3A_116 = arith.addf %scan3A_114#0, %scan3A_114#1 : vector<16xf32>
    %add3A_117 = arith.addf %add3A_116, %scan3A_114#2 : vector<16xf32>
    %add3A_118 = arith.addf %add3A_117, %scan3A_114#3 : vector<16xf32>
    %add3A_119 = arith.addf %add3A_118, %scan3A_114#4 : vector<16xf32>
    %add3A_120 = arith.addf %add3A_119, %scan3A_114#5 : vector<16xf32>
    %add3A_121 = arith.addf %add3A_120, %scan3A_114#6 : vector<16xf32>
    %broadcast_in_dim3A_122 = arith.constant 1000 : i32
    %broadcast_in_dim3A_123 = vector.broadcast %broadcast_in_dim3A_122 : i32 to vector<16xi32>
    %gather3A_124 = tpu.vector_load_idx %arg4[%add3A_107, %broadcast_in_dim3A_123] : memref<48x1001xf32, #tpu.memory_space<vmem>>[vector<16xi32>, vector<16xi32>], vector<16xf32>,
    %bitcast3A_125 = vector.bitcast %add3A_121 : vector<16xf32> to vector<16xi32>
    %shift_right_arithmetic3A_126 = arith.constant 23 : i32
    %shift_right_arithmetic3A_127 = vector.broadcast %shift_right_arithmetic3A_126 : i32 to vector<16xi32>
    %shift_right_arithmetic3A_128 = arith.shrsi %bitcast3A_125, %shift_right_arithmetic3A_127 : vector<16xi32>
    %sub3A_129 = arith.constant 127 : i32
    %sub3A_130 = vector.broadcast %sub3A_129 : i32 to vector<16xi32>
    %sub3A_131 = arith.subi %shift_right_arithmetic3A_128, %sub3A_130 : vector<16xi32>
    %and3A_132 = arith.constant 8388607 : i32
    %and3A_133 = vector.broadcast %and3A_132 : i32 to vector<16xi32>
    %and3A_134 = arith.andi %bitcast3A_125, %and3A_133 : vector<16xi32>
    %or3A_135 = arith.constant 1065353216 : i32
    %or3A_136 = vector.broadcast %or3A_135 : i32 to vector<16xi32>
    %or3A_137 = arith.ori %and3A_134, %or3A_136 : vector<16xi32>
    %bitcast3A_138 = vector.bitcast %or3A_137 : vector<16xi32> to vector<16xf32>
    %mul3A_139 = arith.constant 0.0434286855 : f32
    %mul3A_140 = vector.broadcast %mul3A_139 : f32 to vector<16xf32>
    %mul3A_141 = arith.mulf %mul3A_140, %bitcast3A_138 : vector<16xf32>
    %add3A_142 = arith.constant -0.404864639 : f32
    %add3A_143 = vector.broadcast %add3A_142 : f32 to vector<16xf32>
    %add3A_144 = arith.addf %mul3A_141, %add3A_143 : vector<16xf32>
    %mul3A_145 = arith.mulf %add3A_144, %bitcast3A_138 : vector<16xf32>
    %add3A_146 = arith.constant 1.59389126 : f32
    %add3A_147 = vector.broadcast %add3A_146 : f32 to vector<16xf32>
    %add3A_148 = arith.addf %mul3A_145, %add3A_147 : vector<16xf32>
    %mul3A_149 = arith.mulf %add3A_148, %bitcast3A_138 : vector<16xf32>
    %add3A_150 = arith.constant -3.49247551 : f32
    %add3A_151 = vector.broadcast %add3A_150 : f32 to vector<16xf32>
    %add3A_152 = arith.addf %mul3A_149, %add3A_151 : vector<16xf32>
    %mul3A_153 = arith.mulf %add3A_152, %bitcast3A_138 : vector<16xf32>
    %add3A_154 = arith.constant 5.04685974 : f32
    %add3A_155 = vector.broadcast %add3A_154 : f32 to vector<16xf32>
    %add3A_156 = arith.addf %mul3A_153, %add3A_155 : vector<16xf32>
    %mul3A_157 = arith.mulf %add3A_156, %bitcast3A_138 : vector<16xf32>
    %add3A_158 = arith.constant -2.78680754 : f32
    %add3A_159 = vector.broadcast %add3A_158 : f32 to vector<16xf32>
    %add3A_160 = arith.addf %mul3A_157, %add3A_159 : vector<16xf32>
    %convert_element_type3A_161 = arith.sitofp %sub3A_131 : vector<16xi32> to vector<16xf32>
    %add3A_162 = arith.addf %convert_element_type3A_161, %add3A_160 : vector<16xf32>
    %mul3A_163 = arith.constant 0.693147182 : f32
    %mul3A_164 = vector.broadcast %mul3A_163 : f32 to vector<16xf32>
    %mul3A_165 = arith.mulf %mul3A_164, %add3A_162 : vector<16xf32>
    %add3A_166 = arith.addf %sub3A_104, %mul3A_165 : vector<16xf32>
    %sub3A_167 = arith.subf %add3A_166, %gather3A_124 : vector<16xf32>
    %broadcast_in_dim3A_168 = arith.constant 32 : i32
    %broadcast_in_dim3A_169 = vector.broadcast %broadcast_in_dim3A_168 : i32 to vector<16xi32>
    %add3A_170 = arith.addi %broadcast_in_dim3A_169, %iota3A : vector<16xi32>
    %broadcast_in_dim3A_171 = arith.constant 0.000000e+00 : f32
    %broadcast_in_dim3A_172 = vector.broadcast %broadcast_in_dim3A_171 : f32 to vector<16xf32>
    %scan3A_173 = arith.constant 0 : i32
    %scan3A_174 = arith.constant 143 : i32
    %scan3A_175 = arith.addi %scan3A_173, %scan3A_174 : i32
    %scan3A_176 = arith.constant 1 : i32
    %scan3A_177:7 = scf.for %scan3A_437 = %scan3A_173 to %scan3A_175 step %scan3A_176 iter_args(%scan3A_438 = %broadcast_in_dim3A_172, %scan3A_439 = %broadcast_in_dim3A_172, %scan3A_440 = %broadcast_in_dim3A_172, %scan3A_441 = %broadcast_in_dim3A_172, %scan3A_442 = %broadcast_in_dim3A_172, %scan3A_443 = %broadcast_in_dim3A_172, %scan3A_444 = %broadcast_in_dim3A_172) -> (vector<16xf32>, vector<16xf32>, vector<16xf32>, vector<16xf32>, vector<16xf32>, vector<16xf32>, vector<16xf32>)  : i32 {
      %mul3A_445 = arith.constant 7 : i32
      %mul3A_446 = arith.muli %scan3A_437, %mul3A_445 : i32
      %add3A_447 = arith.constant 0 : i32
      %add3A_448 = arith.addi %mul3A_446, %add3A_447 : i32
      %broadcast_in_dim3A_449 = vector.broadcast %add3A_448 : i32 to vector<16xi32>
      %gather3A_450 = tpu.vector_load_idx %arg4[%add3A_170, %broadcast_in_dim3A_449] : memref<48x1001xf32, #tpu.memory_space<vmem>>[vector<16xi32>, vector<16xi32>], vector<16xf32>,
      %exp3A = math.exp %gather3A_450 : vector<16xf32>
      %add3A_451 = arith.addf %scan3A_438, %exp3A : vector<16xf32>
      %mul3A_452 = arith.constant 7 : i32
      %mul3A_453 = arith.muli %scan3A_437, %mul3A_452 : i32
      %add3A_454 = arith.constant 1 : i32
      %add3A_455 = arith.addi %mul3A_453, %add3A_454 : i32
      %broadcast_in_dim3A_456 = vector.broadcast %add3A_455 : i32 to vector<16xi32>
      %gather3A_457 = tpu.vector_load_idx %arg4[%add3A_170, %broadcast_in_dim3A_456] : memref<48x1001xf32, #tpu.memory_space<vmem>>[vector<16xi32>, vector<16xi32>], vector<16xf32>,
      %exp3A_458 = math.exp %gather3A_457 : vector<16xf32>
      %add3A_459 = arith.addf %scan3A_439, %exp3A_458 : vector<16xf32>
      %mul3A_460 = arith.constant 7 : i32
      %mul3A_461 = arith.muli %scan3A_437, %mul3A_460 : i32
      %add3A_462 = arith.constant 2 : i32
      %add3A_463 = arith.addi %mul3A_461, %add3A_462 : i32
      %broadcast_in_dim3A_464 = vector.broadcast %add3A_463 : i32 to vector<16xi32>
      %gather3A_465 = tpu.vector_load_idx %arg4[%add3A_170, %broadcast_in_dim3A_464] : memref<48x1001xf32, #tpu.memory_space<vmem>>[vector<16xi32>, vector<16xi32>], vector<16xf32>,
      %exp3A_466 = math.exp %gather3A_465 : vector<16xf32>
      %add3A_467 = arith.addf %scan3A_440, %exp3A_466 : vector<16xf32>
      %mul3A_468 = arith.constant 7 : i32
      %mul3A_469 = arith.muli %scan3A_437, %mul3A_468 : i32
      %add3A_470 = arith.constant 3 : i32
      %add3A_471 = arith.addi %mul3A_469, %add3A_470 : i32
      %broadcast_in_dim3A_472 = vector.broadcast %add3A_471 : i32 to vector<16xi32>
      %gather3A_473 = tpu.vector_load_idx %arg4[%add3A_170, %broadcast_in_dim3A_472] : memref<48x1001xf32, #tpu.memory_space<vmem>>[vector<16xi32>, vector<16xi32>], vector<16xf32>,
      %exp3A_474 = math.exp %gather3A_473 : vector<16xf32>
      %add3A_475 = arith.addf %scan3A_441, %exp3A_474 : vector<16xf32>
      %mul3A_476 = arith.constant 7 : i32
      %mul3A_477 = arith.muli %scan3A_437, %mul3A_476 : i32
      %add3A_478 = arith.constant 4 : i32
      %add3A_479 = arith.addi %mul3A_477, %add3A_478 : i32
      %broadcast_in_dim3A_480 = vector.broadcast %add3A_479 : i32 to vector<16xi32>
      %gather3A_481 = tpu.vector_load_idx %arg4[%add3A_170, %broadcast_in_dim3A_480] : memref<48x1001xf32, #tpu.memory_space<vmem>>[vector<16xi32>, vector<16xi32>], vector<16xf32>,
      %exp3A_482 = math.exp %gather3A_481 : vector<16xf32>
      %add3A_483 = arith.addf %scan3A_442, %exp3A_482 : vector<16xf32>
      %mul3A_484 = arith.constant 7 : i32
      %mul3A_485 = arith.muli %scan3A_437, %mul3A_484 : i32
      %add3A_486 = arith.constant 5 : i32
      %add3A_487 = arith.addi %mul3A_485, %add3A_486 : i32
      %broadcast_in_dim3A_488 = vector.broadcast %add3A_487 : i32 to vector<16xi32>
      %gather3A_489 = tpu.vector_load_idx %arg4[%add3A_170, %broadcast_in_dim3A_488] : memref<48x1001xf32, #tpu.memory_space<vmem>>[vector<16xi32>, vector<16xi32>], vector<16xf32>,
      %exp3A_490 = math.exp %gather3A_489 : vector<16xf32>
      %add3A_491 = arith.addf %scan3A_443, %exp3A_490 : vector<16xf32>
      %mul3A_492 = arith.constant 7 : i32
      %mul3A_493 = arith.muli %scan3A_437, %mul3A_492 : i32
      %add3A_494 = arith.constant 6 : i32
      %add3A_495 = arith.addi %mul3A_493, %add3A_494 : i32
      %broadcast_in_dim3A_496 = vector.broadcast %add3A_495 : i32 to vector<16xi32>
      %gather3A_497 = tpu.vector_load_idx %arg4[%add3A_170, %broadcast_in_dim3A_496] : memref<48x1001xf32, #tpu.memory_space<vmem>>[vector<16xi32>, vector<16xi32>], vector<16xf32>,
      %exp3A_498 = math.exp %gather3A_497 : vector<16xf32>
      %add3A_499 = arith.addf %scan3A_444, %exp3A_498 : vector<16xf32>
      scf.yield %add3A_451, %add3A_459, %add3A_467, %add3A_475, %add3A_483, %add3A_491, %add3A_499 : vector<16xf32>, vector<16xf32>, vector<16xf32>, vector<16xf32>, vector<16xf32>, vector<16xf32>, vector<16xf32>
    }
    %scan3A_178 = arith.constant 143 : i32
    %add3A_179 = arith.addf %scan3A_177#0, %scan3A_177#1 : vector<16xf32>
    %add3A_180 = arith.addf %add3A_179, %scan3A_177#2 : vector<16xf32>
    %add3A_181 = arith.addf %add3A_180, %scan3A_177#3 : vector<16xf32>
    %add3A_182 = arith.addf %add3A_181, %scan3A_177#4 : vector<16xf32>
    %add3A_183 = arith.addf %add3A_182, %scan3A_177#5 : vector<16xf32>
    %add3A_184 = arith.addf %add3A_183, %scan3A_177#6 : vector<16xf32>
    %broadcast_in_dim3A_185 = arith.constant 1000 : i32
    %broadcast_in_dim3A_186 = vector.broadcast %broadcast_in_dim3A_185 : i32 to vector<16xi32>
    %gather3A_187 = tpu.vector_load_idx %arg4[%add3A_170, %broadcast_in_dim3A_186] : memref<48x1001xf32, #tpu.memory_space<vmem>>[vector<16xi32>, vector<16xi32>], vector<16xf32>,
    %bitcast3A_188 = vector.bitcast %add3A_184 : vector<16xf32> to vector<16xi32>
    %shift_right_arithmetic3A_189 = arith.constant 23 : i32
    %shift_right_arithmetic3A_190 = vector.broadcast %shift_right_arithmetic3A_189 : i32 to vector<16xi32>
    %shift_right_arithmetic3A_191 = arith.shrsi %bitcast3A_188, %shift_right_arithmetic3A_190 : vector<16xi32>
    %sub3A_192 = arith.constant 127 : i32
    %sub3A_193 = vector.broadcast %sub3A_192 : i32 to vector<16xi32>
    %sub3A_194 = arith.subi %shift_right_arithmetic3A_191, %sub3A_193 : vector<16xi32>
    %and3A_195 = arith.constant 8388607 : i32
    %and3A_196 = vector.broadcast %and3A_195 : i32 to vector<16xi32>
    %and3A_197 = arith.andi %bitcast3A_188, %and3A_196 : vector<16xi32>
    %or3A_198 = arith.constant 1065353216 : i32
    %or3A_199 = vector.broadcast %or3A_198 : i32 to vector<16xi32>
    %or3A_200 = arith.ori %and3A_197, %or3A_199 : vector<16xi32>
    %bitcast3A_201 = vector.bitcast %or3A_200 : vector<16xi32> to vector<16xf32>
    %mul3A_202 = arith.constant 0.0434286855 : f32
    %mul3A_203 = vector.broadcast %mul3A_202 : f32 to vector<16xf32>
    %mul3A_204 = arith.mulf %mul3A_203, %bitcast3A_201 : vector<16xf32>
    %add3A_205 = arith.constant -0.404864639 : f32
    %add3A_206 = vector.broadcast %add3A_205 : f32 to vector<16xf32>
    %add3A_207 = arith.addf %mul3A_204, %add3A_206 : vector<16xf32>
    %mul3A_208 = arith.mulf %add3A_207, %bitcast3A_201 : vector<16xf32>
    %add3A_209 = arith.constant 1.59389126 : f32
    %add3A_210 = vector.broadcast %add3A_209 : f32 to vector<16xf32>
    %add3A_211 = arith.addf %mul3A_208, %add3A_210 : vector<16xf32>
    %mul3A_212 = arith.mulf %add3A_211, %bitcast3A_201 : vector<16xf32>
    %add3A_213 = arith.constant -3.49247551 : f32
    %add3A_214 = vector.broadcast %add3A_213 : f32 to vector<16xf32>
    %add3A_215 = arith.addf %mul3A_212, %add3A_214 : vector<16xf32>
    %mul3A_216 = arith.mulf %add3A_215, %bitcast3A_201 : vector<16xf32>
    %add3A_217 = arith.constant 5.04685974 : f32
    %add3A_218 = vector.broadcast %add3A_217 : f32 to vector<16xf32>
    %add3A_219 = arith.addf %mul3A_216, %add3A_218 : vector<16xf32>
    %mul3A_220 = arith.mulf %add3A_219, %bitcast3A_201 : vector<16xf32>
    %add3A_221 = arith.constant -2.78680754 : f32
    %add3A_222 = vector.broadcast %add3A_221 : f32 to vector<16xf32>
    %add3A_223 = arith.addf %mul3A_220, %add3A_222 : vector<16xf32>
    %convert_element_type3A_224 = arith.sitofp %sub3A_194 : vector<16xi32> to vector<16xf32>
    %add3A_225 = arith.addf %convert_element_type3A_224, %add3A_223 : vector<16xf32>
    %mul3A_226 = arith.constant 0.693147182 : f32
    %mul3A_227 = vector.broadcast %mul3A_226 : f32 to vector<16xf32>
    %mul3A_228 = arith.mulf %mul3A_227, %add3A_225 : vector<16xf32>
    %add3A_229 = arith.addf %sub3A_167, %mul3A_228 : vector<16xf32>
    %sub3A_230 = arith.subf %add3A_229, %gather3A_187 : vector<16xf32>
    %dma_wait3A_231 = arith.constant 0 : i32
    %dma_wait3A_232 = arith.constant 0 : i32
    %dma_wait3A_233 = tpu.memref_slice %arg5[%dma_wait3A_231, %dma_wait3A_232] : memref<48x1001xf32, #tpu.memory_space<vmem>> -> memref<48x1001xf32, #tpu.memory_space<vmem>>
    %dma_wait3A_234 = arith.constant 952 : i32
    %dma_wait3A_235 = arith.constant 0 : i32
    %dma_wait3A_236 = tpu.memref_slice %arg2[%add3A_22, %dma_wait3A_234, %dma_wait3A_235] : memref<64x1000x1001xf32, #tpu.memory_space<hbm>> -> memref<1x48x1001xf32, #tpu.memory_space<hbm>>
    %dma_wait3A_237 = tpu.memref_squeeze %dma_wait3A_236 : memref<1x48x1001xf32, #tpu.memory_space<hbm>> -> memref<48x1001xf32, #tpu.memory_space<hbm>>
    %dma_wait3A_238 = arith.constant 0 : i32
    %dma_wait3A_239 = arith.constant 0 : i32
    %dma_wait3A_240 = tpu.memref_slice %arg5[%dma_wait3A_238, %dma_wait3A_239] : memref<48x1001xf32, #tpu.memory_space<vmem>> -> memref<48x1001xf32, #tpu.memory_space<vmem>>
    %dma_wait3A_241 = arith.constant 952 : i32
    %dma_wait3A_242 = arith.constant 0 : i32
    %dma_wait3A_243 = tpu.memref_slice %arg2[%add3A_22, %dma_wait3A_241, %dma_wait3A_242] : memref<64x1000x1001xf32, #tpu.memory_space<hbm>> -> memref<1x48x1001xf32, #tpu.memory_space<hbm>>
    %dma_wait3A_244 = tpu.memref_squeeze %dma_wait3A_243 : memref<1x48x1001xf32, #tpu.memory_space<hbm>> -> memref<48x1001xf32, #tpu.memory_space<hbm>>
    tpu.wait_dma2 semaphore(%arg8 : memref<!tpu.dma_semaphore, #tpu.memory_space<semaphore_mem>>) src(%dma_wait3A_244 : memref<48x1001xf32, #tpu.memory_space<hbm>>) dst(%dma_wait3A_240 : memref<48x1001xf32, #tpu.memory_space<vmem>>)
    %broadcast_in_dim3A_245 = arith.constant 0 : i32
    %broadcast_in_dim3A_246 = vector.broadcast %broadcast_in_dim3A_245 : i32 to vector<16xi32>
    %add3A_247 = arith.addi %broadcast_in_dim3A_246, %iota3A : vector<16xi32>
    %broadcast_in_dim3A_248 = arith.constant 0.000000e+00 : f32
    %broadcast_in_dim3A_249 = vector.broadcast %broadcast_in_dim3A_248 : f32 to vector<16xf32>
    %scan3A_250 = arith.constant 0 : i32
    %scan3A_251 = arith.constant 143 : i32
    %scan3A_252 = arith.addi %scan3A_250, %scan3A_251 : i32
    %scan3A_253 = arith.constant 1 : i32
    %scan3A_254:7 = scf.for %scan3A_437 = %scan3A_250 to %scan3A_252 step %scan3A_253 iter_args(%scan3A_438 = %broadcast_in_dim3A_249, %scan3A_439 = %broadcast_in_dim3A_249, %scan3A_440 = %broadcast_in_dim3A_249, %scan3A_441 = %broadcast_in_dim3A_249, %scan3A_442 = %broadcast_in_dim3A_249, %scan3A_443 = %broadcast_in_dim3A_249, %scan3A_444 = %broadcast_in_dim3A_249) -> (vector<16xf32>, vector<16xf32>, vector<16xf32>, vector<16xf32>, vector<16xf32>, vector<16xf32>, vector<16xf32>)  : i32 {
      %mul3A_445 = arith.constant 7 : i32
      %mul3A_446 = arith.muli %scan3A_437, %mul3A_445 : i32
      %add3A_447 = arith.constant 0 : i32
      %add3A_448 = arith.addi %mul3A_446, %add3A_447 : i32
      %broadcast_in_dim3A_449 = vector.broadcast %add3A_448 : i32 to vector<16xi32>
      %gather3A_450 = tpu.vector_load_idx %arg5[%add3A_247, %broadcast_in_dim3A_449] : memref<48x1001xf32, #tpu.memory_space<vmem>>[vector<16xi32>, vector<16xi32>], vector<16xf32>,
      %exp3A = math.exp %gather3A_450 : vector<16xf32>
      %add3A_451 = arith.addf %scan3A_438, %exp3A : vector<16xf32>
      %mul3A_452 = arith.constant 7 : i32
      %mul3A_453 = arith.muli %scan3A_437, %mul3A_452 : i32
      %add3A_454 = arith.constant 1 : i32
      %add3A_455 = arith.addi %mul3A_453, %add3A_454 : i32
      %broadcast_in_dim3A_456 = vector.broadcast %add3A_455 : i32 to vector<16xi32>
      %gather3A_457 = tpu.vector_load_idx %arg5[%add3A_247, %broadcast_in_dim3A_456] : memref<48x1001xf32, #tpu.memory_space<vmem>>[vector<16xi32>, vector<16xi32>], vector<16xf32>,
      %exp3A_458 = math.exp %gather3A_457 : vector<16xf32>
      %add3A_459 = arith.addf %scan3A_439, %exp3A_458 : vector<16xf32>
      %mul3A_460 = arith.constant 7 : i32
      %mul3A_461 = arith.muli %scan3A_437, %mul3A_460 : i32
      %add3A_462 = arith.constant 2 : i32
      %add3A_463 = arith.addi %mul3A_461, %add3A_462 : i32
      %broadcast_in_dim3A_464 = vector.broadcast %add3A_463 : i32 to vector<16xi32>
      %gather3A_465 = tpu.vector_load_idx %arg5[%add3A_247, %broadcast_in_dim3A_464] : memref<48x1001xf32, #tpu.memory_space<vmem>>[vector<16xi32>, vector<16xi32>], vector<16xf32>,
      %exp3A_466 = math.exp %gather3A_465 : vector<16xf32>
      %add3A_467 = arith.addf %scan3A_440, %exp3A_466 : vector<16xf32>
      %mul3A_468 = arith.constant 7 : i32
      %mul3A_469 = arith.muli %scan3A_437, %mul3A_468 : i32
      %add3A_470 = arith.constant 3 : i32
      %add3A_471 = arith.addi %mul3A_469, %add3A_470 : i32
      %broadcast_in_dim3A_472 = vector.broadcast %add3A_471 : i32 to vector<16xi32>
      %gather3A_473 = tpu.vector_load_idx %arg5[%add3A_247, %broadcast_in_dim3A_472] : memref<48x1001xf32, #tpu.memory_space<vmem>>[vector<16xi32>, vector<16xi32>], vector<16xf32>,
      %exp3A_474 = math.exp %gather3A_473 : vector<16xf32>
      %add3A_475 = arith.addf %scan3A_441, %exp3A_474 : vector<16xf32>
      %mul3A_476 = arith.constant 7 : i32
      %mul3A_477 = arith.muli %scan3A_437, %mul3A_476 : i32
      %add3A_478 = arith.constant 4 : i32
      %add3A_479 = arith.addi %mul3A_477, %add3A_478 : i32
      %broadcast_in_dim3A_480 = vector.broadcast %add3A_479 : i32 to vector<16xi32>
      %gather3A_481 = tpu.vector_load_idx %arg5[%add3A_247, %broadcast_in_dim3A_480] : memref<48x1001xf32, #tpu.memory_space<vmem>>[vector<16xi32>, vector<16xi32>], vector<16xf32>,
      %exp3A_482 = math.exp %gather3A_481 : vector<16xf32>
      %add3A_483 = arith.addf %scan3A_442, %exp3A_482 : vector<16xf32>
      %mul3A_484 = arith.constant 7 : i32
      %mul3A_485 = arith.muli %scan3A_437, %mul3A_484 : i32
      %add3A_486 = arith.constant 5 : i32
      %add3A_487 = arith.addi %mul3A_485, %add3A_486 : i32
      %broadcast_in_dim3A_488 = vector.broadcast %add3A_487 : i32 to vector<16xi32>
      %gather3A_489 = tpu.vector_load_idx %arg5[%add3A_247, %broadcast_in_dim3A_488] : memref<48x1001xf32, #tpu.memory_space<vmem>>[vector<16xi32>, vector<16xi32>], vector<16xf32>,
      %exp3A_490 = math.exp %gather3A_489 : vector<16xf32>
      %add3A_491 = arith.addf %scan3A_443, %exp3A_490 : vector<16xf32>
      %mul3A_492 = arith.constant 7 : i32
      %mul3A_493 = arith.muli %scan3A_437, %mul3A_492 : i32
      %add3A_494 = arith.constant 6 : i32
      %add3A_495 = arith.addi %mul3A_493, %add3A_494 : i32
      %broadcast_in_dim3A_496 = vector.broadcast %add3A_495 : i32 to vector<16xi32>
      %gather3A_497 = tpu.vector_load_idx %arg5[%add3A_247, %broadcast_in_dim3A_496] : memref<48x1001xf32, #tpu.memory_space<vmem>>[vector<16xi32>, vector<16xi32>], vector<16xf32>,
      %exp3A_498 = math.exp %gather3A_497 : vector<16xf32>
      %add3A_499 = arith.addf %scan3A_444, %exp3A_498 : vector<16xf32>
      scf.yield %add3A_451, %add3A_459, %add3A_467, %add3A_475, %add3A_483, %add3A_491, %add3A_499 : vector<16xf32>, vector<16xf32>, vector<16xf32>, vector<16xf32>, vector<16xf32>, vector<16xf32>, vector<16xf32>
    }
    %scan3A_255 = arith.constant 143 : i32
    %add3A_256 = arith.addf %scan3A_254#0, %scan3A_254#1 : vector<16xf32>
    %add3A_257 = arith.addf %add3A_256, %scan3A_254#2 : vector<16xf32>
    %add3A_258 = arith.addf %add3A_257, %scan3A_254#3 : vector<16xf32>
    %add3A_259 = arith.addf %add3A_258, %scan3A_254#4 : vector<16xf32>
    %add3A_260 = arith.addf %add3A_259, %scan3A_254#5 : vector<16xf32>
    %add3A_261 = arith.addf %add3A_260, %scan3A_254#6 : vector<16xf32>
    %broadcast_in_dim3A_262 = arith.constant 1000 : i32
    %broadcast_in_dim3A_263 = vector.broadcast %broadcast_in_dim3A_262 : i32 to vector<16xi32>
    %gather3A_264 = tpu.vector_load_idx %arg5[%add3A_247, %broadcast_in_dim3A_263] : memref<48x1001xf32, #tpu.memory_space<vmem>>[vector<16xi32>, vector<16xi32>], vector<16xf32>,
    %bitcast3A_265 = vector.bitcast %add3A_261 : vector<16xf32> to vector<16xi32>
    %shift_right_arithmetic3A_266 = arith.constant 23 : i32
    %shift_right_arithmetic3A_267 = vector.broadcast %shift_right_arithmetic3A_266 : i32 to vector<16xi32>
    %shift_right_arithmetic3A_268 = arith.shrsi %bitcast3A_265, %shift_right_arithmetic3A_267 : vector<16xi32>
    %sub3A_269 = arith.constant 127 : i32
    %sub3A_270 = vector.broadcast %sub3A_269 : i32 to vector<16xi32>
    %sub3A_271 = arith.subi %shift_right_arithmetic3A_268, %sub3A_270 : vector<16xi32>
    %and3A_272 = arith.constant 8388607 : i32
    %and3A_273 = vector.broadcast %and3A_272 : i32 to vector<16xi32>
    %and3A_274 = arith.andi %bitcast3A_265, %and3A_273 : vector<16xi32>
    %or3A_275 = arith.constant 1065353216 : i32
    %or3A_276 = vector.broadcast %or3A_275 : i32 to vector<16xi32>
    %or3A_277 = arith.ori %and3A_274, %or3A_276 : vector<16xi32>
    %bitcast3A_278 = vector.bitcast %or3A_277 : vector<16xi32> to vector<16xf32>
    %mul3A_279 = arith.constant 0.0434286855 : f32
    %mul3A_280 = vector.broadcast %mul3A_279 : f32 to vector<16xf32>
    %mul3A_281 = arith.mulf %mul3A_280, %bitcast3A_278 : vector<16xf32>
    %add3A_282 = arith.constant -0.404864639 : f32
    %add3A_283 = vector.broadcast %add3A_282 : f32 to vector<16xf32>
    %add3A_284 = arith.addf %mul3A_281, %add3A_283 : vector<16xf32>
    %mul3A_285 = arith.mulf %add3A_284, %bitcast3A_278 : vector<16xf32>
    %add3A_286 = arith.constant 1.59389126 : f32
    %add3A_287 = vector.broadcast %add3A_286 : f32 to vector<16xf32>
    %add3A_288 = arith.addf %mul3A_285, %add3A_287 : vector<16xf32>
    %mul3A_289 = arith.mulf %add3A_288, %bitcast3A_278 : vector<16xf32>
    %add3A_290 = arith.constant -3.49247551 : f32
    %add3A_291 = vector.broadcast %add3A_290 : f32 to vector<16xf32>
    %add3A_292 = arith.addf %mul3A_289, %add3A_291 : vector<16xf32>
    %mul3A_293 = arith.mulf %add3A_292, %bitcast3A_278 : vector<16xf32>
    %add3A_294 = arith.constant 5.04685974 : f32
    %add3A_295 = vector.broadcast %add3A_294 : f32 to vector<16xf32>
    %add3A_296 = arith.addf %mul3A_293, %add3A_295 : vector<16xf32>
    %mul3A_297 = arith.mulf %add3A_296, %bitcast3A_278 : vector<16xf32>
    %add3A_298 = arith.constant -2.78680754 : f32
    %add3A_299 = vector.broadcast %add3A_298 : f32 to vector<16xf32>
    %add3A_300 = arith.addf %mul3A_297, %add3A_299 : vector<16xf32>
    %convert_element_type3A_301 = arith.sitofp %sub3A_271 : vector<16xi32> to vector<16xf32>
    %add3A_302 = arith.addf %convert_element_type3A_301, %add3A_300 : vector<16xf32>
    %mul3A_303 = arith.constant 0.693147182 : f32
    %mul3A_304 = vector.broadcast %mul3A_303 : f32 to vector<16xf32>
    %mul3A_305 = arith.mulf %mul3A_304, %add3A_302 : vector<16xf32>
    %add3A_306 = arith.addf %sub3A_230, %mul3A_305 : vector<16xf32>
    %sub3A_307 = arith.subf %add3A_306, %gather3A_264 : vector<16xf32>
    %broadcast_in_dim3A_308 = arith.constant 16 : i32
    %broadcast_in_dim3A_309 = vector.broadcast %broadcast_in_dim3A_308 : i32 to vector<16xi32>
    %add3A_310 = arith.addi %broadcast_in_dim3A_309, %iota3A : vector<16xi32>
    %broadcast_in_dim3A_311 = arith.constant 0.000000e+00 : f32
    %broadcast_in_dim3A_312 = vector.broadcast %broadcast_in_dim3A_311 : f32 to vector<16xf32>
    %scan3A_313 = arith.constant 0 : i32
    %scan3A_314 = arith.constant 143 : i32
    %scan3A_315 = arith.addi %scan3A_313, %scan3A_314 : i32
    %scan3A_316 = arith.constant 1 : i32
    %scan3A_317:7 = scf.for %scan3A_437 = %scan3A_313 to %scan3A_315 step %scan3A_316 iter_args(%scan3A_438 = %broadcast_in_dim3A_312, %scan3A_439 = %broadcast_in_dim3A_312, %scan3A_440 = %broadcast_in_dim3A_312, %scan3A_441 = %broadcast_in_dim3A_312, %scan3A_442 = %broadcast_in_dim3A_312, %scan3A_443 = %broadcast_in_dim3A_312, %scan3A_444 = %broadcast_in_dim3A_312) -> (vector<16xf32>, vector<16xf32>, vector<16xf32>, vector<16xf32>, vector<16xf32>, vector<16xf32>, vector<16xf32>)  : i32 {
      %mul3A_445 = arith.constant 7 : i32
      %mul3A_446 = arith.muli %scan3A_437, %mul3A_445 : i32
      %add3A_447 = arith.constant 0 : i32
      %add3A_448 = arith.addi %mul3A_446, %add3A_447 : i32
      %broadcast_in_dim3A_449 = vector.broadcast %add3A_448 : i32 to vector<16xi32>
      %gather3A_450 = tpu.vector_load_idx %arg5[%add3A_310, %broadcast_in_dim3A_449] : memref<48x1001xf32, #tpu.memory_space<vmem>>[vector<16xi32>, vector<16xi32>], vector<16xf32>,
      %exp3A = math.exp %gather3A_450 : vector<16xf32>
      %add3A_451 = arith.addf %scan3A_438, %exp3A : vector<16xf32>
      %mul3A_452 = arith.constant 7 : i32
      %mul3A_453 = arith.muli %scan3A_437, %mul3A_452 : i32
      %add3A_454 = arith.constant 1 : i32
      %add3A_455 = arith.addi %mul3A_453, %add3A_454 : i32
      %broadcast_in_dim3A_456 = vector.broadcast %add3A_455 : i32 to vector<16xi32>
      %gather3A_457 = tpu.vector_load_idx %arg5[%add3A_310, %broadcast_in_dim3A_456] : memref<48x1001xf32, #tpu.memory_space<vmem>>[vector<16xi32>, vector<16xi32>], vector<16xf32>,
      %exp3A_458 = math.exp %gather3A_457 : vector<16xf32>
      %add3A_459 = arith.addf %scan3A_439, %exp3A_458 : vector<16xf32>
      %mul3A_460 = arith.constant 7 : i32
      %mul3A_461 = arith.muli %scan3A_437, %mul3A_460 : i32
      %add3A_462 = arith.constant 2 : i32
      %add3A_463 = arith.addi %mul3A_461, %add3A_462 : i32
      %broadcast_in_dim3A_464 = vector.broadcast %add3A_463 : i32 to vector<16xi32>
      %gather3A_465 = tpu.vector_load_idx %arg5[%add3A_310, %broadcast_in_dim3A_464] : memref<48x1001xf32, #tpu.memory_space<vmem>>[vector<16xi32>, vector<16xi32>], vector<16xf32>,
      %exp3A_466 = math.exp %gather3A_465 : vector<16xf32>
      %add3A_467 = arith.addf %scan3A_440, %exp3A_466 : vector<16xf32>
      %mul3A_468 = arith.constant 7 : i32
      %mul3A_469 = arith.muli %scan3A_437, %mul3A_468 : i32
      %add3A_470 = arith.constant 3 : i32
      %add3A_471 = arith.addi %mul3A_469, %add3A_470 : i32
      %broadcast_in_dim3A_472 = vector.broadcast %add3A_471 : i32 to vector<16xi32>
      %gather3A_473 = tpu.vector_load_idx %arg5[%add3A_310, %broadcast_in_dim3A_472] : memref<48x1001xf32, #tpu.memory_space<vmem>>[vector<16xi32>, vector<16xi32>], vector<16xf32>,
      %exp3A_474 = math.exp %gather3A_473 : vector<16xf32>
      %add3A_475 = arith.addf %scan3A_441, %exp3A_474 : vector<16xf32>
      %mul3A_476 = arith.constant 7 : i32
      %mul3A_477 = arith.muli %scan3A_437, %mul3A_476 : i32
      %add3A_478 = arith.constant 4 : i32
      %add3A_479 = arith.addi %mul3A_477, %add3A_478 : i32
      %broadcast_in_dim3A_480 = vector.broadcast %add3A_479 : i32 to vector<16xi32>
      %gather3A_481 = tpu.vector_load_idx %arg5[%add3A_310, %broadcast_in_dim3A_480] : memref<48x1001xf32, #tpu.memory_space<vmem>>[vector<16xi32>, vector<16xi32>], vector<16xf32>,
      %exp3A_482 = math.exp %gather3A_481 : vector<16xf32>
      %add3A_483 = arith.addf %scan3A_442, %exp3A_482 : vector<16xf32>
      %mul3A_484 = arith.constant 7 : i32
      %mul3A_485 = arith.muli %scan3A_437, %mul3A_484 : i32
      %add3A_486 = arith.constant 5 : i32
      %add3A_487 = arith.addi %mul3A_485, %add3A_486 : i32
      %broadcast_in_dim3A_488 = vector.broadcast %add3A_487 : i32 to vector<16xi32>
      %gather3A_489 = tpu.vector_load_idx %arg5[%add3A_310, %broadcast_in_dim3A_488] : memref<48x1001xf32, #tpu.memory_space<vmem>>[vector<16xi32>, vector<16xi32>], vector<16xf32>,
      %exp3A_490 = math.exp %gather3A_489 : vector<16xf32>
      %add3A_491 = arith.addf %scan3A_443, %exp3A_490 : vector<16xf32>
      %mul3A_492 = arith.constant 7 : i32
      %mul3A_493 = arith.muli %scan3A_437, %mul3A_492 : i32
      %add3A_494 = arith.constant 6 : i32
      %add3A_495 = arith.addi %mul3A_493, %add3A_494 : i32
      %broadcast_in_dim3A_496 = vector.broadcast %add3A_495 : i32 to vector<16xi32>
      %gather3A_497 = tpu.vector_load_idx %arg5[%add3A_310, %broadcast_in_dim3A_496] : memref<48x1001xf32, #tpu.memory_space<vmem>>[vector<16xi32>, vector<16xi32>], vector<16xf32>,
      %exp3A_498 = math.exp %gather3A_497 : vector<16xf32>
      %add3A_499 = arith.addf %scan3A_444, %exp3A_498 : vector<16xf32>
      scf.yield %add3A_451, %add3A_459, %add3A_467, %add3A_475, %add3A_483, %add3A_491, %add3A_499 : vector<16xf32>, vector<16xf32>, vector<16xf32>, vector<16xf32>, vector<16xf32>, vector<16xf32>, vector<16xf32>
    }
    %scan3A_318 = arith.constant 143 : i32
    %add3A_319 = arith.addf %scan3A_317#0, %scan3A_317#1 : vector<16xf32>
    %add3A_320 = arith.addf %add3A_319, %scan3A_317#2 : vector<16xf32>
    %add3A_321 = arith.addf %add3A_320, %scan3A_317#3 : vector<16xf32>
    %add3A_322 = arith.addf %add3A_321, %scan3A_317#4 : vector<16xf32>
    %add3A_323 = arith.addf %add3A_322, %scan3A_317#5 : vector<16xf32>
    %add3A_324 = arith.addf %add3A_323, %scan3A_317#6 : vector<16xf32>
    %broadcast_in_dim3A_325 = arith.constant 1000 : i32
    %broadcast_in_dim3A_326 = vector.broadcast %broadcast_in_dim3A_325 : i32 to vector<16xi32>
    %gather3A_327 = tpu.vector_load_idx %arg5[%add3A_310, %broadcast_in_dim3A_326] : memref<48x1001xf32, #tpu.memory_space<vmem>>[vector<16xi32>, vector<16xi32>], vector<16xf32>,
    %bitcast3A_328 = vector.bitcast %add3A_324 : vector<16xf32> to vector<16xi32>
    %shift_right_arithmetic3A_329 = arith.constant 23 : i32
    %shift_right_arithmetic3A_330 = vector.broadcast %shift_right_arithmetic3A_329 : i32 to vector<16xi32>
    %shift_right_arithmetic3A_331 = arith.shrsi %bitcast3A_328, %shift_right_arithmetic3A_330 : vector<16xi32>
    %sub3A_332 = arith.constant 127 : i32
    %sub3A_333 = vector.broadcast %sub3A_332 : i32 to vector<16xi32>
    %sub3A_334 = arith.subi %shift_right_arithmetic3A_331, %sub3A_333 : vector<16xi32>
    %and3A_335 = arith.constant 8388607 : i32
    %and3A_336 = vector.broadcast %and3A_335 : i32 to vector<16xi32>
    %and3A_337 = arith.andi %bitcast3A_328, %and3A_336 : vector<16xi32>
    %or3A_338 = arith.constant 1065353216 : i32
    %or3A_339 = vector.broadcast %or3A_338 : i32 to vector<16xi32>
    %or3A_340 = arith.ori %and3A_337, %or3A_339 : vector<16xi32>
    %bitcast3A_341 = vector.bitcast %or3A_340 : vector<16xi32> to vector<16xf32>
    %mul3A_342 = arith.constant 0.0434286855 : f32
    %mul3A_343 = vector.broadcast %mul3A_342 : f32 to vector<16xf32>
    %mul3A_344 = arith.mulf %mul3A_343, %bitcast3A_341 : vector<16xf32>
    %add3A_345 = arith.constant -0.404864639 : f32
    %add3A_346 = vector.broadcast %add3A_345 : f32 to vector<16xf32>
    %add3A_347 = arith.addf %mul3A_344, %add3A_346 : vector<16xf32>
    %mul3A_348 = arith.mulf %add3A_347, %bitcast3A_341 : vector<16xf32>
    %add3A_349 = arith.constant 1.59389126 : f32
    %add3A_350 = vector.broadcast %add3A_349 : f32 to vector<16xf32>
    %add3A_351 = arith.addf %mul3A_348, %add3A_350 : vector<16xf32>
    %mul3A_352 = arith.mulf %add3A_351, %bitcast3A_341 : vector<16xf32>
    %add3A_353 = arith.constant -3.49247551 : f32
    %add3A_354 = vector.broadcast %add3A_353 : f32 to vector<16xf32>
    %add3A_355 = arith.addf %mul3A_352, %add3A_354 : vector<16xf32>
    %mul3A_356 = arith.mulf %add3A_355, %bitcast3A_341 : vector<16xf32>
    %add3A_357 = arith.constant 5.04685974 : f32
    %add3A_358 = vector.broadcast %add3A_357 : f32 to vector<16xf32>
    %add3A_359 = arith.addf %mul3A_356, %add3A_358 : vector<16xf32>
    %mul3A_360 = arith.mulf %add3A_359, %bitcast3A_341 : vector<16xf32>
    %add3A_361 = arith.constant -2.78680754 : f32
    %add3A_362 = vector.broadcast %add3A_361 : f32 to vector<16xf32>
    %add3A_363 = arith.addf %mul3A_360, %add3A_362 : vector<16xf32>
    %convert_element_type3A_364 = arith.sitofp %sub3A_334 : vector<16xi32> to vector<16xf32>
    %add3A_365 = arith.addf %convert_element_type3A_364, %add3A_363 : vector<16xf32>
    %mul3A_366 = arith.constant 0.693147182 : f32
    %mul3A_367 = vector.broadcast %mul3A_366 : f32 to vector<16xf32>
    %mul3A_368 = arith.mulf %mul3A_367, %add3A_365 : vector<16xf32>
    %add3A_369 = arith.addf %sub3A_307, %mul3A_368 : vector<16xf32>
    %sub3A_370 = arith.subf %add3A_369, %gather3A_327 : vector<16xf32>
    %broadcast_in_dim3A_371 = arith.constant 32 : i32
    %broadcast_in_dim3A_372 = vector.broadcast %broadcast_in_dim3A_371 : i32 to vector<16xi32>
    %add3A_373 = arith.addi %broadcast_in_dim3A_372, %iota3A : vector<16xi32>
    %broadcast_in_dim3A_374 = arith.constant 0.000000e+00 : f32
    %broadcast_in_dim3A_375 = vector.broadcast %broadcast_in_dim3A_374 : f32 to vector<16xf32>
    %scan3A_376 = arith.constant 0 : i32
    %scan3A_377 = arith.constant 143 : i32
    %scan3A_378 = arith.addi %scan3A_376, %scan3A_377 : i32
    %scan3A_379 = arith.constant 1 : i32
    %scan3A_380:7 = scf.for %scan3A_437 = %scan3A_376 to %scan3A_378 step %scan3A_379 iter_args(%scan3A_438 = %broadcast_in_dim3A_375, %scan3A_439 = %broadcast_in_dim3A_375, %scan3A_440 = %broadcast_in_dim3A_375, %scan3A_441 = %broadcast_in_dim3A_375, %scan3A_442 = %broadcast_in_dim3A_375, %scan3A_443 = %broadcast_in_dim3A_375, %scan3A_444 = %broadcast_in_dim3A_375) -> (vector<16xf32>, vector<16xf32>, vector<16xf32>, vector<16xf32>, vector<16xf32>, vector<16xf32>, vector<16xf32>)  : i32 {
      %mul3A_445 = arith.constant 7 : i32
      %mul3A_446 = arith.muli %scan3A_437, %mul3A_445 : i32
      %add3A_447 = arith.constant 0 : i32
      %add3A_448 = arith.addi %mul3A_446, %add3A_447 : i32
      %broadcast_in_dim3A_449 = vector.broadcast %add3A_448 : i32 to vector<16xi32>
      %gather3A_450 = tpu.vector_load_idx %arg5[%add3A_373, %broadcast_in_dim3A_449] : memref<48x1001xf32, #tpu.memory_space<vmem>>[vector<16xi32>, vector<16xi32>], vector<16xf32>,
      %exp3A = math.exp %gather3A_450 : vector<16xf32>
      %add3A_451 = arith.addf %scan3A_438, %exp3A : vector<16xf32>
      %mul3A_452 = arith.constant 7 : i32
      %mul3A_453 = arith.muli %scan3A_437, %mul3A_452 : i32
      %add3A_454 = arith.constant 1 : i32
      %add3A_455 = arith.addi %mul3A_453, %add3A_454 : i32
      %broadcast_in_dim3A_456 = vector.broadcast %add3A_455 : i32 to vector<16xi32>
      %gather3A_457 = tpu.vector_load_idx %arg5[%add3A_373, %broadcast_in_dim3A_456] : memref<48x1001xf32, #tpu.memory_space<vmem>>[vector<16xi32>, vector<16xi32>], vector<16xf32>,
      %exp3A_458 = math.exp %gather3A_457 : vector<16xf32>
      %add3A_459 = arith.addf %scan3A_439, %exp3A_458 : vector<16xf32>
      %mul3A_460 = arith.constant 7 : i32
      %mul3A_461 = arith.muli %scan3A_437, %mul3A_460 : i32
      %add3A_462 = arith.constant 2 : i32
      %add3A_463 = arith.addi %mul3A_461, %add3A_462 : i32
      %broadcast_in_dim3A_464 = vector.broadcast %add3A_463 : i32 to vector<16xi32>
      %gather3A_465 = tpu.vector_load_idx %arg5[%add3A_373, %broadcast_in_dim3A_464] : memref<48x1001xf32, #tpu.memory_space<vmem>>[vector<16xi32>, vector<16xi32>], vector<16xf32>,
      %exp3A_466 = math.exp %gather3A_465 : vector<16xf32>
      %add3A_467 = arith.addf %scan3A_440, %exp3A_466 : vector<16xf32>
      %mul3A_468 = arith.constant 7 : i32
      %mul3A_469 = arith.muli %scan3A_437, %mul3A_468 : i32
      %add3A_470 = arith.constant 3 : i32
      %add3A_471 = arith.addi %mul3A_469, %add3A_470 : i32
      %broadcast_in_dim3A_472 = vector.broadcast %add3A_471 : i32 to vector<16xi32>
      %gather3A_473 = tpu.vector_load_idx %arg5[%add3A_373, %broadcast_in_dim3A_472] : memref<48x1001xf32, #tpu.memory_space<vmem>>[vector<16xi32>, vector<16xi32>], vector<16xf32>,
      %exp3A_474 = math.exp %gather3A_473 : vector<16xf32>
      %add3A_475 = arith.addf %scan3A_441, %exp3A_474 : vector<16xf32>
      %mul3A_476 = arith.constant 7 : i32
      %mul3A_477 = arith.muli %scan3A_437, %mul3A_476 : i32
      %add3A_478 = arith.constant 4 : i32
      %add3A_479 = arith.addi %mul3A_477, %add3A_478 : i32
      %broadcast_in_dim3A_480 = vector.broadcast %add3A_479 : i32 to vector<16xi32>
      %gather3A_481 = tpu.vector_load_idx %arg5[%add3A_373, %broadcast_in_dim3A_480] : memref<48x1001xf32, #tpu.memory_space<vmem>>[vector<16xi32>, vector<16xi32>], vector<16xf32>,
      %exp3A_482 = math.exp %gather3A_481 : vector<16xf32>
      %add3A_483 = arith.addf %scan3A_442, %exp3A_482 : vector<16xf32>
      %mul3A_484 = arith.constant 7 : i32
      %mul3A_485 = arith.muli %scan3A_437, %mul3A_484 : i32
      %add3A_486 = arith.constant 5 : i32
      %add3A_487 = arith.addi %mul3A_485, %add3A_486 : i32
      %broadcast_in_dim3A_488 = vector.broadcast %add3A_487 : i32 to vector<16xi32>
      %gather3A_489 = tpu.vector_load_idx %arg5[%add3A_373, %broadcast_in_dim3A_488] : memref<48x1001xf32, #tpu.memory_space<vmem>>[vector<16xi32>, vector<16xi32>], vector<16xf32>,
      %exp3A_490 = math.exp %gather3A_489 : vector<16xf32>
      %add3A_491 = arith.addf %scan3A_443, %exp3A_490 : vector<16xf32>
      %mul3A_492 = arith.constant 7 : i32
      %mul3A_493 = arith.muli %scan3A_437, %mul3A_492 : i32
      %add3A_494 = arith.constant 6 : i32
      %add3A_495 = arith.addi %mul3A_493, %add3A_494 : i32
      %broadcast_in_dim3A_496 = vector.broadcast %add3A_495 : i32 to vector<16xi32>
      %gather3A_497 = tpu.vector_load_idx %arg5[%add3A_373, %broadcast_in_dim3A_496] : memref<48x1001xf32, #tpu.memory_space<vmem>>[vector<16xi32>, vector<16xi32>], vector<16xf32>,
      %exp3A_498 = math.exp %gather3A_497 : vector<16xf32>
      %add3A_499 = arith.addf %scan3A_444, %exp3A_498 : vector<16xf32>
      scf.yield %add3A_451, %add3A_459, %add3A_467, %add3A_475, %add3A_483, %add3A_491, %add3A_499 : vector<16xf32>, vector<16xf32>, vector<16xf32>, vector<16xf32>, vector<16xf32>, vector<16xf32>, vector<16xf32>
    }
    %scan3A_381 = arith.constant 143 : i32
    %add3A_382 = arith.addf %scan3A_380#0, %scan3A_380#1 : vector<16xf32>
    %add3A_383 = arith.addf %add3A_382, %scan3A_380#2 : vector<16xf32>
    %add3A_384 = arith.addf %add3A_383, %scan3A_380#3 : vector<16xf32>
    %add3A_385 = arith.addf %add3A_384, %scan3A_380#4 : vector<16xf32>
    %add3A_386 = arith.addf %add3A_385, %scan3A_380#5 : vector<16xf32>
    %add3A_387 = arith.addf %add3A_386, %scan3A_380#6 : vector<16xf32>
    %broadcast_in_dim3A_388 = arith.constant 1000 : i32
    %broadcast_in_dim3A_389 = vector.broadcast %broadcast_in_dim3A_388 : i32 to vector<16xi32>
    %gather3A_390 = tpu.vector_load_idx %arg5[%add3A_373, %broadcast_in_dim3A_389] : memref<48x1001xf32, #tpu.memory_space<vmem>>[vector<16xi32>, vector<16xi32>], vector<16xf32>,
    %bitcast3A_391 = vector.bitcast %add3A_387 : vector<16xf32> to vector<16xi32>
    %shift_right_arithmetic3A_392 = arith.constant 23 : i32
    %shift_right_arithmetic3A_393 = vector.broadcast %shift_right_arithmetic3A_392 : i32 to vector<16xi32>
    %shift_right_arithmetic3A_394 = arith.shrsi %bitcast3A_391, %shift_right_arithmetic3A_393 : vector<16xi32>
    %sub3A_395 = arith.constant 127 : i32
    %sub3A_396 = vector.broadcast %sub3A_395 : i32 to vector<16xi32>
    %sub3A_397 = arith.subi %shift_right_arithmetic3A_394, %sub3A_396 : vector<16xi32>
    %and3A_398 = arith.constant 8388607 : i32
    %and3A_399 = vector.broadcast %and3A_398 : i32 to vector<16xi32>
    %and3A_400 = arith.andi %bitcast3A_391, %and3A_399 : vector<16xi32>
    %or3A_401 = arith.constant 1065353216 : i32
    %or3A_402 = vector.broadcast %or3A_401 : i32 to vector<16xi32>
    %or3A_403 = arith.ori %and3A_400, %or3A_402 : vector<16xi32>
    %bitcast3A_404 = vector.bitcast %or3A_403 : vector<16xi32> to vector<16xf32>
    %mul3A_405 = arith.constant 0.0434286855 : f32
    %mul3A_406 = vector.broadcast %mul3A_405 : f32 to vector<16xf32>
    %mul3A_407 = arith.mulf %mul3A_406, %bitcast3A_404 : vector<16xf32>
    %add3A_408 = arith.constant -0.404864639 : f32
    %add3A_409 = vector.broadcast %add3A_408 : f32 to vector<16xf32>
    %add3A_410 = arith.addf %mul3A_407, %add3A_409 : vector<16xf32>
    %mul3A_411 = arith.mulf %add3A_410, %bitcast3A_404 : vector<16xf32>
    %add3A_412 = arith.constant 1.59389126 : f32
    %add3A_413 = vector.broadcast %add3A_412 : f32 to vector<16xf32>
    %add3A_414 = arith.addf %mul3A_411, %add3A_413 : vector<16xf32>
    %mul3A_415 = arith.mulf %add3A_414, %bitcast3A_404 : vector<16xf32>
    %add3A_416 = arith.constant -3.49247551 : f32
    %add3A_417 = vector.broadcast %add3A_416 : f32 to vector<16xf32>
    %add3A_418 = arith.addf %mul3A_415, %add3A_417 : vector<16xf32>
    %mul3A_419 = arith.mulf %add3A_418, %bitcast3A_404 : vector<16xf32>
    %add3A_420 = arith.constant 5.04685974 : f32
    %add3A_421 = vector.broadcast %add3A_420 : f32 to vector<16xf32>
    %add3A_422 = arith.addf %mul3A_419, %add3A_421 : vector<16xf32>
    %mul3A_423 = arith.mulf %add3A_422, %bitcast3A_404 : vector<16xf32>
    %add3A_424 = arith.constant -2.78680754 : f32
    %add3A_425 = vector.broadcast %add3A_424 : f32 to vector<16xf32>
    %add3A_426 = arith.addf %mul3A_423, %add3A_425 : vector<16xf32>
    %convert_element_type3A_427 = arith.sitofp %sub3A_397 : vector<16xi32> to vector<16xf32>
    %add3A_428 = arith.addf %convert_element_type3A_427, %add3A_426 : vector<16xf32>
    %mul3A_429 = arith.constant 0.693147182 : f32
    %mul3A_430 = vector.broadcast %mul3A_429 : f32 to vector<16xf32>
    %mul3A_431 = arith.mulf %mul3A_430, %add3A_428 : vector<16xf32>
    %add3A_432 = arith.addf %sub3A_370, %mul3A_431 : vector<16xf32>
    %sub3A_433 = arith.subf %add3A_432, %gather3A_390 : vector<16xf32>
    %swap3A = arith.constant 0 : index
    %swap3A_434 = tpu.vector_load %arg6[%swap3A] {strides = array<i32>} : memref<16xf32, #tpu.memory_space<vmem>>, vector<16xf32>,
    tpu.vector_store %arg6[%swap3A], %sub3A_433 {strides = array<i32>} : memref<16xf32, #tpu.memory_space<vmem>>, vector<16xf32>,
    %mul3A_435 = arith.constant 16 : i32
    %mul3A_436 = arith.muli %add3A, %mul3A_435 : i32
    "tpu.region"() ({
      %run_scoped3A = tpu.sem_alloc : memref<!tpu.dma_semaphore, #tpu.memory_space<semaphore_mem>>
      %dma_start3A_437 = tpu.memref_slice %arg3[%mul3A_436] : memref<512xf32, #tpu.memory_space<hbm>> -> memref<16xf32, #tpu.memory_space<hbm>>
      %dma_start3A_438 = tpu.memref_slice %arg3[%mul3A_436] : memref<512xf32, #tpu.memory_space<hbm>> -> memref<16xf32, #tpu.memory_space<hbm>>
      tpu.enqueue_dma source(%arg6 : memref<16xf32, #tpu.memory_space<vmem>>) target(%dma_start3A_438 : memref<16xf32, #tpu.memory_space<hbm>>) target_semaphore(%run_scoped3A : memref<!tpu.dma_semaphore, #tpu.memory_space<semaphore_mem>>)
      %dma_wait3A_439 = tpu.memref_slice %arg3[%mul3A_436] : memref<512xf32, #tpu.memory_space<hbm>> -> memref<16xf32, #tpu.memory_space<hbm>>
      %dma_wait3A_440 = tpu.memref_slice %arg3[%mul3A_436] : memref<512xf32, #tpu.memory_space<hbm>> -> memref<16xf32, #tpu.memory_space<hbm>>
      tpu.wait_dma2 semaphore(%run_scoped3A : memref<!tpu.dma_semaphore, #tpu.memory_space<semaphore_mem>>) src(%arg6 : memref<16xf32, #tpu.memory_space<vmem>>) dst(%dma_wait3A_440 : memref<16xf32, #tpu.memory_space<hbm>>)
      tpu.yield
    }) : () -> ()
    return
  }
}

module attributes {stable_mosaic.version = 14 : i64} {
  func.func @_loss_kernel(%arg0: i32, %arg1: memref<64x1x100xi32, #tpu.memory_space<vmem>>, %arg2: memref<4x952x1001xf32, #tpu.memory_space<vmem>>, %arg3: memref<64x104x4xf32, #tpu.memory_space<vmem>>, %arg4: memref<64x100x4xf32, #tpu.memory_space<vmem>>, %arg5: memref<2xf32, #tpu.memory_space<smem>>) attributes {dimension_semantics = [#tpu.dimension_semantics<arbitrary>], iteration_bounds = array<i64: 16>, scalar_prefetch = 0 : i64, scratch_operands = 0 : i64, tpu.core_type = #tpu.core_type<tc>, window_params = [{pipeline_mode = #tpu.pipeline_mode<synchronous>, transform_indices = @transform_0, window_bounds = array<i64: 64, 1, 100>}, {transform_indices = @transform_1, window_bounds = array<i64: 4, 952, 1001>}, {pipeline_mode = #tpu.pipeline_mode<synchronous>, transform_indices = @transform_2, window_bounds = array<i64: 64, 104, 4>}, {pipeline_mode = #tpu.pipeline_mode<synchronous>, transform_indices = @transform_3, window_bounds = array<i64: 64, 100, 4>}, {transform_indices = @transform_4, window_bounds = array<i64: 2>}]} {
    %get3A = arith.constant 0 : index
    %get3A_0 = arith.constant 0 : index
    %get3A_1 = arith.constant 0 : index
    %get3A_2 = vector.load %arg2[%get3A, %get3A_0, %get3A_1] : memref<4x952x1001xf32, #tpu.memory_space<vmem>>, vector<1x952x1001xf32>
    %get3A_3 = vector.shape_cast %get3A_2 : vector<1x952x1001xf32> to vector<952x1001xf32>
    %reduce_max3A = arith.constant dense<0xFF800000> : vector<952xf32>
    %reduce_max3A_4 = vector.multi_reduction <maximumf>, %get3A_3, %reduce_max3A [1] : vector<952x1001xf32> to vector<952xf32>
    %broadcast_in_dim3A = vector.shape_cast %reduce_max3A_4 : vector<952xf32> to vector<952x1xf32>
    %sub3A = vector.broadcast %broadcast_in_dim3A : vector<952x1xf32> to vector<952x1001xf32>
    %sub3A_5 = arith.subf %get3A_3, %sub3A : vector<952x1001xf32>
    %exp3A = math.exp %sub3A_5 : vector<952x1001xf32>
    %reduce_sum3A = arith.constant dense<0.000000e+00> : vector<952xf32>
    %reduce_sum3A_6 = vector.multi_reduction <add>, %exp3A, %reduce_sum3A [1] : vector<952x1001xf32> to vector<952xf32>
    %log3A = math.log %reduce_sum3A_6 : vector<952xf32>
    %add3A = arith.addf %reduce_max3A_4, %log3A : vector<952xf32>
    %reduce_sum3A_7 = vector.shape_cast %add3A : vector<952xf32> to vector<1x952xf32>
    %reduce_sum3A_8 = arith.constant dense<0.000000e+00> : vector<1xf32>
    %reduce_sum3A_9 = vector.multi_reduction <add>, %reduce_sum3A_7, %reduce_sum3A_8 [1] : vector<1x952xf32> to vector<1xf32>
    %reduce_sum3A_10 = vector.shape_cast %reduce_sum3A_9 : vector<1xf32> to vector<1x1xf32>
    %reduce_sum3A_11 = vector.extract %reduce_sum3A_10[0, 0] : f32 from vector<1x1xf32>
    %add3A_12 = arith.constant 0.000000e+00 : f32
    %add3A_13 = arith.addf %add3A_12, %reduce_sum3A_11 : f32
    %slice3A = vector.extract_strided_slice %get3A_3 {offsets = [0, 1000], sizes = [952, 1], strides = [1, 1]} : vector<952x1001xf32> to vector<952x1xf32>
    %iota3A = tpu.iota {dimensions = array<i32: 0>} : vector<952x1xi32>
    %ge3A = arith.constant 100 : i32
    %ge3A_14 = vector.broadcast %ge3A : i32 to vector<952x1xi32>
    %ge3A_15 = arith.cmpi sge, %iota3A, %ge3A_14 : vector<952x1xi32>
    %jit3A = arith.constant 0.000000e+00 : f32
    %broadcast_in_dim3A_16 = vector.broadcast %jit3A : f32 to vector<952x1xf32>
    %select_n3A = arith.select %ge3A_15, %slice3A, %broadcast_in_dim3A_16 : vector<952x1xi1>, vector<952x1xf32>
    %reduce_sum3A_17 = vector.shape_cast %select_n3A : vector<952x1xf32> to vector<1x952x1xf32>
    %reduce_sum3A_18 = arith.constant dense<0.000000e+00> : vector<1xf32>
    %reduce_sum3A_19 = vector.multi_reduction <add>, %reduce_sum3A_17, %reduce_sum3A_18 [1, 2] : vector<1x952x1xf32> to vector<1xf32>
    %reduce_sum3A_20 = vector.shape_cast %reduce_sum3A_19 : vector<1xf32> to vector<1x1x1xf32>
    %reduce_sum3A_21 = vector.extract %reduce_sum3A_20[0, 0, 0] : f32 from vector<1x1x1xf32>
    %add3A_22 = arith.constant 0.000000e+00 : f32
    %add3A_23 = arith.addf %add3A_22, %reduce_sum3A_21 : f32
    %mul3A = arith.constant 4 : i32
    %mul3A_24 = arith.muli %arg0, %mul3A : i32
    %add3A_25 = arith.constant 0 : i32
    %add3A_26 = arith.addi %mul3A_24, %add3A_25 : i32
    %get3A_27 = arith.index_cast %add3A_26 : i32 to index
    %get3A_28 = arith.constant 0 : index
    %get3A_29 = arith.constant 0 : index
    %get3A_30 = vector.load %arg1[%get3A_27, %get3A_28, %get3A_29] : memref<64x1x100xi32, #tpu.memory_space<vmem>>, vector<1x1x100xi32>
    %get3A_31 = vector.shape_cast %get3A_30 : vector<1x1x100xi32> to vector<100xi32>
    %iota3A_32 = tpu.iota {dimensions = array<i32: 1>} : vector<100x1001xi32>
    %broadcast_in_dim3A_33 = vector.shape_cast %get3A_31 : vector<100xi32> to vector<100x1xi32>
    %eq3A = vector.broadcast %broadcast_in_dim3A_33 : vector<100x1xi32> to vector<100x1001xi32>
    %eq3A_34 = arith.cmpi eq, %iota3A_32, %eq3A : vector<100x1001xi32>
    %slice3A_35 = vector.extract_strided_slice %get3A_3 {offsets = [0, 0], sizes = [100, 1001], strides = [1, 1]} : vector<952x1001xf32> to vector<100x1001xf32>
    %jit3A_36 = arith.constant 0.000000e+00 : f32
    %broadcast_in_dim3A_37 = vector.broadcast %jit3A_36 : f32 to vector<100x1001xf32>
    %select_n3A_38 = arith.select %eq3A_34, %slice3A_35, %broadcast_in_dim3A_37 : vector<100x1001xi1>, vector<100x1001xf32>
    %reduce_sum3A_39 = vector.shape_cast %select_n3A_38 : vector<100x1001xf32> to vector<1x100x1001xf32>
    %reduce_sum3A_40 = arith.constant dense<0.000000e+00> : vector<1xf32>
    %reduce_sum3A_41 = vector.multi_reduction <add>, %reduce_sum3A_39, %reduce_sum3A_40 [1, 2] : vector<1x100x1001xf32> to vector<1xf32>
    %reduce_sum3A_42 = vector.shape_cast %reduce_sum3A_41 : vector<1xf32> to vector<1x1x1xf32>
    %reduce_sum3A_43 = vector.extract %reduce_sum3A_42[0, 0, 0] : f32 from vector<1x1x1xf32>
    %add3A_44 = arith.addf %add3A_23, %reduce_sum3A_43 : f32
    %get3A_45 = arith.constant 1 : index
    %get3A_46 = arith.constant 0 : index
    %get3A_47 = arith.constant 0 : index
    %get3A_48 = vector.load %arg2[%get3A_45, %get3A_46, %get3A_47] : memref<4x952x1001xf32, #tpu.memory_space<vmem>>, vector<1x952x1001xf32>
    %get3A_49 = vector.shape_cast %get3A_48 : vector<1x952x1001xf32> to vector<952x1001xf32>
    %reduce_max3A_50 = arith.constant dense<0xFF800000> : vector<952xf32>
    %reduce_max3A_51 = vector.multi_reduction <maximumf>, %get3A_49, %reduce_max3A_50 [1] : vector<952x1001xf32> to vector<952xf32>
    %broadcast_in_dim3A_52 = vector.shape_cast %reduce_max3A_51 : vector<952xf32> to vector<952x1xf32>
    %sub3A_53 = vector.broadcast %broadcast_in_dim3A_52 : vector<952x1xf32> to vector<952x1001xf32>
    %sub3A_54 = arith.subf %get3A_49, %sub3A_53 : vector<952x1001xf32>
    %exp3A_55 = math.exp %sub3A_54 : vector<952x1001xf32>
    %reduce_sum3A_56 = arith.constant dense<0.000000e+00> : vector<952xf32>
    %reduce_sum3A_57 = vector.multi_reduction <add>, %exp3A_55, %reduce_sum3A_56 [1] : vector<952x1001xf32> to vector<952xf32>
    %log3A_58 = math.log %reduce_sum3A_57 : vector<952xf32>
    %add3A_59 = arith.addf %reduce_max3A_51, %log3A_58 : vector<952xf32>
    %reduce_sum3A_60 = vector.shape_cast %add3A_59 : vector<952xf32> to vector<1x952xf32>
    %reduce_sum3A_61 = arith.constant dense<0.000000e+00> : vector<1xf32>
    %reduce_sum3A_62 = vector.multi_reduction <add>, %reduce_sum3A_60, %reduce_sum3A_61 [1] : vector<1x952xf32> to vector<1xf32>
    %reduce_sum3A_63 = vector.shape_cast %reduce_sum3A_62 : vector<1xf32> to vector<1x1xf32>
    %reduce_sum3A_64 = vector.extract %reduce_sum3A_63[0, 0] : f32 from vector<1x1xf32>
    %add3A_65 = arith.addf %add3A_13, %reduce_sum3A_64 : f32
    %slice3A_66 = vector.extract_strided_slice %get3A_49 {offsets = [0, 1000], sizes = [952, 1], strides = [1, 1]} : vector<952x1001xf32> to vector<952x1xf32>
    %iota3A_67 = tpu.iota {dimensions = array<i32: 0>} : vector<952x1xi32>
    %ge3A_68 = arith.constant 100 : i32
    %ge3A_69 = vector.broadcast %ge3A_68 : i32 to vector<952x1xi32>
    %ge3A_70 = arith.cmpi sge, %iota3A_67, %ge3A_69 : vector<952x1xi32>
    %jit3A_71 = arith.constant 0.000000e+00 : f32
    %broadcast_in_dim3A_72 = vector.broadcast %jit3A_71 : f32 to vector<952x1xf32>
    %select_n3A_73 = arith.select %ge3A_70, %slice3A_66, %broadcast_in_dim3A_72 : vector<952x1xi1>, vector<952x1xf32>
    %reduce_sum3A_74 = vector.shape_cast %select_n3A_73 : vector<952x1xf32> to vector<1x952x1xf32>
    %reduce_sum3A_75 = arith.constant dense<0.000000e+00> : vector<1xf32>
    %reduce_sum3A_76 = vector.multi_reduction <add>, %reduce_sum3A_74, %reduce_sum3A_75 [1, 2] : vector<1x952x1xf32> to vector<1xf32>
    %reduce_sum3A_77 = vector.shape_cast %reduce_sum3A_76 : vector<1xf32> to vector<1x1x1xf32>
    %reduce_sum3A_78 = vector.extract %reduce_sum3A_77[0, 0, 0] : f32 from vector<1x1x1xf32>
    %add3A_79 = arith.addf %add3A_44, %reduce_sum3A_78 : f32
    %mul3A_80 = arith.constant 4 : i32
    %mul3A_81 = arith.muli %arg0, %mul3A_80 : i32
    %add3A_82 = arith.constant 1 : i32
    %add3A_83 = arith.addi %mul3A_81, %add3A_82 : i32
    %get3A_84 = arith.index_cast %add3A_83 : i32 to index
    %get3A_85 = arith.constant 0 : index
    %get3A_86 = arith.constant 0 : index
    %get3A_87 = vector.load %arg1[%get3A_84, %get3A_85, %get3A_86] : memref<64x1x100xi32, #tpu.memory_space<vmem>>, vector<1x1x100xi32>
    %get3A_88 = vector.shape_cast %get3A_87 : vector<1x1x100xi32> to vector<100xi32>
    %iota3A_89 = tpu.iota {dimensions = array<i32: 1>} : vector<100x1001xi32>
    %broadcast_in_dim3A_90 = vector.shape_cast %get3A_88 : vector<100xi32> to vector<100x1xi32>
    %eq3A_91 = vector.broadcast %broadcast_in_dim3A_90 : vector<100x1xi32> to vector<100x1001xi32>
    %eq3A_92 = arith.cmpi eq, %iota3A_89, %eq3A_91 : vector<100x1001xi32>
    %slice3A_93 = vector.extract_strided_slice %get3A_49 {offsets = [0, 0], sizes = [100, 1001], strides = [1, 1]} : vector<952x1001xf32> to vector<100x1001xf32>
    %jit3A_94 = arith.constant 0.000000e+00 : f32
    %broadcast_in_dim3A_95 = vector.broadcast %jit3A_94 : f32 to vector<100x1001xf32>
    %select_n3A_96 = arith.select %eq3A_92, %slice3A_93, %broadcast_in_dim3A_95 : vector<100x1001xi1>, vector<100x1001xf32>
    %reduce_sum3A_97 = vector.shape_cast %select_n3A_96 : vector<100x1001xf32> to vector<1x100x1001xf32>
    %reduce_sum3A_98 = arith.constant dense<0.000000e+00> : vector<1xf32>
    %reduce_sum3A_99 = vector.multi_reduction <add>, %reduce_sum3A_97, %reduce_sum3A_98 [1, 2] : vector<1x100x1001xf32> to vector<1xf32>
    %reduce_sum3A_100 = vector.shape_cast %reduce_sum3A_99 : vector<1xf32> to vector<1x1x1xf32>
    %reduce_sum3A_101 = vector.extract %reduce_sum3A_100[0, 0, 0] : f32 from vector<1x1x1xf32>
    %add3A_102 = arith.addf %add3A_79, %reduce_sum3A_101 : f32
    %get3A_103 = arith.constant 2 : index
    %get3A_104 = arith.constant 0 : index
    %get3A_105 = arith.constant 0 : index
    %get3A_106 = vector.load %arg2[%get3A_103, %get3A_104, %get3A_105] : memref<4x952x1001xf32, #tpu.memory_space<vmem>>, vector<1x952x1001xf32>
    %get3A_107 = vector.shape_cast %get3A_106 : vector<1x952x1001xf32> to vector<952x1001xf32>
    %reduce_max3A_108 = arith.constant dense<0xFF800000> : vector<952xf32>
    %reduce_max3A_109 = vector.multi_reduction <maximumf>, %get3A_107, %reduce_max3A_108 [1] : vector<952x1001xf32> to vector<952xf32>
    %broadcast_in_dim3A_110 = vector.shape_cast %reduce_max3A_109 : vector<952xf32> to vector<952x1xf32>
    %sub3A_111 = vector.broadcast %broadcast_in_dim3A_110 : vector<952x1xf32> to vector<952x1001xf32>
    %sub3A_112 = arith.subf %get3A_107, %sub3A_111 : vector<952x1001xf32>
    %exp3A_113 = math.exp %sub3A_112 : vector<952x1001xf32>
    %reduce_sum3A_114 = arith.constant dense<0.000000e+00> : vector<952xf32>
    %reduce_sum3A_115 = vector.multi_reduction <add>, %exp3A_113, %reduce_sum3A_114 [1] : vector<952x1001xf32> to vector<952xf32>
    %log3A_116 = math.log %reduce_sum3A_115 : vector<952xf32>
    %add3A_117 = arith.addf %reduce_max3A_109, %log3A_116 : vector<952xf32>
    %reduce_sum3A_118 = vector.shape_cast %add3A_117 : vector<952xf32> to vector<1x952xf32>
    %reduce_sum3A_119 = arith.constant dense<0.000000e+00> : vector<1xf32>
    %reduce_sum3A_120 = vector.multi_reduction <add>, %reduce_sum3A_118, %reduce_sum3A_119 [1] : vector<1x952xf32> to vector<1xf32>
    %reduce_sum3A_121 = vector.shape_cast %reduce_sum3A_120 : vector<1xf32> to vector<1x1xf32>
    %reduce_sum3A_122 = vector.extract %reduce_sum3A_121[0, 0] : f32 from vector<1x1xf32>
    %add3A_123 = arith.addf %add3A_65, %reduce_sum3A_122 : f32
    %slice3A_124 = vector.extract_strided_slice %get3A_107 {offsets = [0, 1000], sizes = [952, 1], strides = [1, 1]} : vector<952x1001xf32> to vector<952x1xf32>
    %iota3A_125 = tpu.iota {dimensions = array<i32: 0>} : vector<952x1xi32>
    %ge3A_126 = arith.constant 100 : i32
    %ge3A_127 = vector.broadcast %ge3A_126 : i32 to vector<952x1xi32>
    %ge3A_128 = arith.cmpi sge, %iota3A_125, %ge3A_127 : vector<952x1xi32>
    %jit3A_129 = arith.constant 0.000000e+00 : f32
    %broadcast_in_dim3A_130 = vector.broadcast %jit3A_129 : f32 to vector<952x1xf32>
    %select_n3A_131 = arith.select %ge3A_128, %slice3A_124, %broadcast_in_dim3A_130 : vector<952x1xi1>, vector<952x1xf32>
    %reduce_sum3A_132 = vector.shape_cast %select_n3A_131 : vector<952x1xf32> to vector<1x952x1xf32>
    %reduce_sum3A_133 = arith.constant dense<0.000000e+00> : vector<1xf32>
    %reduce_sum3A_134 = vector.multi_reduction <add>, %reduce_sum3A_132, %reduce_sum3A_133 [1, 2] : vector<1x952x1xf32> to vector<1xf32>
    %reduce_sum3A_135 = vector.shape_cast %reduce_sum3A_134 : vector<1xf32> to vector<1x1x1xf32>
    %reduce_sum3A_136 = vector.extract %reduce_sum3A_135[0, 0, 0] : f32 from vector<1x1x1xf32>
    %add3A_137 = arith.addf %add3A_102, %reduce_sum3A_136 : f32
    %mul3A_138 = arith.constant 4 : i32
    %mul3A_139 = arith.muli %arg0, %mul3A_138 : i32
    %add3A_140 = arith.constant 2 : i32
    %add3A_141 = arith.addi %mul3A_139, %add3A_140 : i32
    %get3A_142 = arith.index_cast %add3A_141 : i32 to index
    %get3A_143 = arith.constant 0 : index
    %get3A_144 = arith.constant 0 : index
    %get3A_145 = vector.load %arg1[%get3A_142, %get3A_143, %get3A_144] : memref<64x1x100xi32, #tpu.memory_space<vmem>>, vector<1x1x100xi32>
    %get3A_146 = vector.shape_cast %get3A_145 : vector<1x1x100xi32> to vector<100xi32>
    %iota3A_147 = tpu.iota {dimensions = array<i32: 1>} : vector<100x1001xi32>
    %broadcast_in_dim3A_148 = vector.shape_cast %get3A_146 : vector<100xi32> to vector<100x1xi32>
    %eq3A_149 = vector.broadcast %broadcast_in_dim3A_148 : vector<100x1xi32> to vector<100x1001xi32>
    %eq3A_150 = arith.cmpi eq, %iota3A_147, %eq3A_149 : vector<100x1001xi32>
    %slice3A_151 = vector.extract_strided_slice %get3A_107 {offsets = [0, 0], sizes = [100, 1001], strides = [1, 1]} : vector<952x1001xf32> to vector<100x1001xf32>
    %jit3A_152 = arith.constant 0.000000e+00 : f32
    %broadcast_in_dim3A_153 = vector.broadcast %jit3A_152 : f32 to vector<100x1001xf32>
    %select_n3A_154 = arith.select %eq3A_150, %slice3A_151, %broadcast_in_dim3A_153 : vector<100x1001xi1>, vector<100x1001xf32>
    %reduce_sum3A_155 = vector.shape_cast %select_n3A_154 : vector<100x1001xf32> to vector<1x100x1001xf32>
    %reduce_sum3A_156 = arith.constant dense<0.000000e+00> : vector<1xf32>
    %reduce_sum3A_157 = vector.multi_reduction <add>, %reduce_sum3A_155, %reduce_sum3A_156 [1, 2] : vector<1x100x1001xf32> to vector<1xf32>
    %reduce_sum3A_158 = vector.shape_cast %reduce_sum3A_157 : vector<1xf32> to vector<1x1x1xf32>
    %reduce_sum3A_159 = vector.extract %reduce_sum3A_158[0, 0, 0] : f32 from vector<1x1x1xf32>
    %add3A_160 = arith.addf %add3A_137, %reduce_sum3A_159 : f32
    %get3A_161 = arith.constant 3 : index
    %get3A_162 = arith.constant 0 : index
    %get3A_163 = arith.constant 0 : index
    %get3A_164 = vector.load %arg2[%get3A_161, %get3A_162, %get3A_163] : memref<4x952x1001xf32, #tpu.memory_space<vmem>>, vector<1x952x1001xf32>
    %get3A_165 = vector.shape_cast %get3A_164 : vector<1x952x1001xf32> to vector<952x1001xf32>
    %reduce_max3A_166 = arith.constant dense<0xFF800000> : vector<952xf32>
    %reduce_max3A_167 = vector.multi_reduction <maximumf>, %get3A_165, %reduce_max3A_166 [1] : vector<952x1001xf32> to vector<952xf32>
    %broadcast_in_dim3A_168 = vector.shape_cast %reduce_max3A_167 : vector<952xf32> to vector<952x1xf32>
    %sub3A_169 = vector.broadcast %broadcast_in_dim3A_168 : vector<952x1xf32> to vector<952x1001xf32>
    %sub3A_170 = arith.subf %get3A_165, %sub3A_169 : vector<952x1001xf32>
    %exp3A_171 = math.exp %sub3A_170 : vector<952x1001xf32>
    %reduce_sum3A_172 = arith.constant dense<0.000000e+00> : vector<952xf32>
    %reduce_sum3A_173 = vector.multi_reduction <add>, %exp3A_171, %reduce_sum3A_172 [1] : vector<952x1001xf32> to vector<952xf32>
    %log3A_174 = math.log %reduce_sum3A_173 : vector<952xf32>
    %add3A_175 = arith.addf %reduce_max3A_167, %log3A_174 : vector<952xf32>
    %reduce_sum3A_176 = vector.shape_cast %add3A_175 : vector<952xf32> to vector<1x952xf32>
    %reduce_sum3A_177 = arith.constant dense<0.000000e+00> : vector<1xf32>
    %reduce_sum3A_178 = vector.multi_reduction <add>, %reduce_sum3A_176, %reduce_sum3A_177 [1] : vector<1x952xf32> to vector<1xf32>
    %reduce_sum3A_179 = vector.shape_cast %reduce_sum3A_178 : vector<1xf32> to vector<1x1xf32>
    %reduce_sum3A_180 = vector.extract %reduce_sum3A_179[0, 0] : f32 from vector<1x1xf32>
    %add3A_181 = arith.addf %add3A_123, %reduce_sum3A_180 : f32
    %slice3A_182 = vector.extract_strided_slice %get3A_165 {offsets = [0, 1000], sizes = [952, 1], strides = [1, 1]} : vector<952x1001xf32> to vector<952x1xf32>
    %iota3A_183 = tpu.iota {dimensions = array<i32: 0>} : vector<952x1xi32>
    %ge3A_184 = arith.constant 100 : i32
    %ge3A_185 = vector.broadcast %ge3A_184 : i32 to vector<952x1xi32>
    %ge3A_186 = arith.cmpi sge, %iota3A_183, %ge3A_185 : vector<952x1xi32>
    %jit3A_187 = arith.constant 0.000000e+00 : f32
    %broadcast_in_dim3A_188 = vector.broadcast %jit3A_187 : f32 to vector<952x1xf32>
    %select_n3A_189 = arith.select %ge3A_186, %slice3A_182, %broadcast_in_dim3A_188 : vector<952x1xi1>, vector<952x1xf32>
    %reduce_sum3A_190 = vector.shape_cast %select_n3A_189 : vector<952x1xf32> to vector<1x952x1xf32>
    %reduce_sum3A_191 = arith.constant dense<0.000000e+00> : vector<1xf32>
    %reduce_sum3A_192 = vector.multi_reduction <add>, %reduce_sum3A_190, %reduce_sum3A_191 [1, 2] : vector<1x952x1xf32> to vector<1xf32>
    %reduce_sum3A_193 = vector.shape_cast %reduce_sum3A_192 : vector<1xf32> to vector<1x1x1xf32>
    %reduce_sum3A_194 = vector.extract %reduce_sum3A_193[0, 0, 0] : f32 from vector<1x1x1xf32>
    %add3A_195 = arith.addf %add3A_160, %reduce_sum3A_194 : f32
    %mul3A_196 = arith.constant 4 : i32
    %mul3A_197 = arith.muli %arg0, %mul3A_196 : i32
    %add3A_198 = arith.constant 3 : i32
    %add3A_199 = arith.addi %mul3A_197, %add3A_198 : i32
    %get3A_200 = arith.index_cast %add3A_199 : i32 to index
    %get3A_201 = arith.constant 0 : index
    %get3A_202 = arith.constant 0 : index
    %get3A_203 = vector.load %arg1[%get3A_200, %get3A_201, %get3A_202] : memref<64x1x100xi32, #tpu.memory_space<vmem>>, vector<1x1x100xi32>
    %get3A_204 = vector.shape_cast %get3A_203 : vector<1x1x100xi32> to vector<100xi32>
    %iota3A_205 = tpu.iota {dimensions = array<i32: 1>} : vector<100x1001xi32>
    %broadcast_in_dim3A_206 = vector.shape_cast %get3A_204 : vector<100xi32> to vector<100x1xi32>
    %eq3A_207 = vector.broadcast %broadcast_in_dim3A_206 : vector<100x1xi32> to vector<100x1001xi32>
    %eq3A_208 = arith.cmpi eq, %iota3A_205, %eq3A_207 : vector<100x1001xi32>
    %slice3A_209 = vector.extract_strided_slice %get3A_165 {offsets = [0, 0], sizes = [100, 1001], strides = [1, 1]} : vector<952x1001xf32> to vector<100x1001xf32>
    %jit3A_210 = arith.constant 0.000000e+00 : f32
    %broadcast_in_dim3A_211 = vector.broadcast %jit3A_210 : f32 to vector<100x1001xf32>
    %select_n3A_212 = arith.select %eq3A_208, %slice3A_209, %broadcast_in_dim3A_211 : vector<100x1001xi1>, vector<100x1001xf32>
    %reduce_sum3A_213 = vector.shape_cast %select_n3A_212 : vector<100x1001xf32> to vector<1x100x1001xf32>
    %reduce_sum3A_214 = arith.constant dense<0.000000e+00> : vector<1xf32>
    %reduce_sum3A_215 = vector.multi_reduction <add>, %reduce_sum3A_213, %reduce_sum3A_214 [1, 2] : vector<1x100x1001xf32> to vector<1xf32>
    %reduce_sum3A_216 = vector.shape_cast %reduce_sum3A_215 : vector<1xf32> to vector<1x1x1xf32>
    %reduce_sum3A_217 = vector.extract %reduce_sum3A_216[0, 0, 0] : f32 from vector<1x1x1xf32>
    %add3A_218 = arith.addf %add3A_195, %reduce_sum3A_217 : f32
    %eq3A_219 = arith.constant 0 : i32
    %eq3A_220 = arith.cmpi eq, %arg0, %eq3A_219 : i32
    %convert_element_type3A = arith.extui %eq3A_220 : i1 to i32
    %cond3A = arith.constant 0 : i32
    %cond3A_221 = arith.cmpi ne, %convert_element_type3A, %cond3A : i32
    scf.if %cond3A_221 {
      %swap3A_227 = arith.constant 0.000000e+00 : f32
      %swap3A_228 = arith.constant 0 : index
      %swap3A_229 = memref.load %arg5[%swap3A_228] : memref<2xf32, #tpu.memory_space<smem>>
      memref.store %swap3A_227, %arg5[%swap3A_228] : memref<2xf32, #tpu.memory_space<smem>>
      %swap3A_230 = arith.constant 0.000000e+00 : f32
      %swap3A_231 = arith.constant 1 : index
      %swap3A_232 = memref.load %arg5[%swap3A_231] : memref<2xf32, #tpu.memory_space<smem>>
      memref.store %swap3A_230, %arg5[%swap3A_231] : memref<2xf32, #tpu.memory_space<smem>>
      %get3A_233 = arith.constant 0 : index
      %get3A_234 = arith.constant 0 : index
      %get3A_235 = arith.constant 0 : index
      %get3A_236 = vector.load %arg3[%get3A_233, %get3A_234, %get3A_235] : memref<64x104x4xf32, #tpu.memory_space<vmem>>, vector<64x100x4xf32>
      %get3A_237 = arith.constant 0 : index
      %get3A_238 = arith.constant 0 : index
      %get3A_239 = arith.constant 0 : index
      %get3A_240 = vector.load %arg4[%get3A_237, %get3A_238, %get3A_239] : memref<64x100x4xf32, #tpu.memory_space<vmem>>, vector<64x100x4xf32>
      %sub3A_241 = arith.subf %get3A_236, %get3A_240 : vector<64x100x4xf32>
      %abs3A = math.absf %sub3A_241 : vector<64x100x4xf32>
      %reduce_sum3A_242 = vector.shape_cast %abs3A : vector<64x100x4xf32> to vector<1x64x100x4xf32>
      %reduce_sum3A_243 = arith.constant dense<0.000000e+00> : vector<1xf32>
      %reduce_sum3A_244 = vector.multi_reduction <add>, %reduce_sum3A_242, %reduce_sum3A_243 [1, 2, 3] : vector<1x64x100x4xf32> to vector<1xf32>
      %reduce_sum3A_245 = vector.shape_cast %reduce_sum3A_244 : vector<1xf32> to vector<1x1x1x1xf32>
      %reduce_sum3A_246 = vector.extract %reduce_sum3A_245[0, 0, 0, 0] : f32 from vector<1x1x1x1xf32>
      %div3A = arith.constant 2.560000e+04 : f32
      %div3A_247 = arith.divf %reduce_sum3A_246, %div3A : f32
      %swap3A_248 = arith.constant 1 : index
      %swap3A_249 = memref.load %arg5[%swap3A_248] : memref<2xf32, #tpu.memory_space<smem>>
      memref.store %div3A_247, %arg5[%swap3A_248] : memref<2xf32, #tpu.memory_space<smem>>
    } else {
    }
    %get3A_222 = arith.constant 0 : index
    %get3A_223 = memref.load %arg5[%get3A_222] : memref<2xf32, #tpu.memory_space<smem>>
    %sub3A_224 = arith.subf %add3A_181, %add3A_218 : f32
    %add3A_225 = arith.addf %get3A_223, %sub3A_224 : f32
    %swap3A = arith.constant 0 : index
    %swap3A_226 = memref.load %arg5[%swap3A] : memref<2xf32, #tpu.memory_space<smem>>
    memref.store %add3A_225, %arg5[%swap3A] : memref<2xf32, #tpu.memory_space<smem>>
    return
  }
  func.func @transform_0(%arg0: i32) -> (i32, i32, i32) {
    %c0_i32 = arith.constant 0 : i32
    %c0_i32_0 = arith.constant 0 : i32
    %c0_i32_1 = arith.constant 0 : i32
    %c0_i32_2 = arith.constant 0 : i32
    return %c0_i32, %c0_i32_0, %c0_i32_1 : i32, i32, i32
  }
  func.func @transform_1(%arg0: i32) -> (i32, i32, i32) {
    %c0_i32 = arith.constant 0 : i32
    %c0_i32_0 = arith.constant 0 : i32
    %c0_i32_1 = arith.constant 0 : i32
    return %arg0, %c0_i32, %c0_i32_0 : i32, i32, i32
  }
  func.func @transform_2(%arg0: i32) -> (i32, i32, i32) {
    %c0_i32 = arith.constant 0 : i32
    %c0_i32_0 = arith.constant 0 : i32
    %c0_i32_1 = arith.constant 0 : i32
    %c0_i32_2 = arith.constant 0 : i32
    return %c0_i32, %c0_i32_0, %c0_i32_1 : i32, i32, i32
  }
  func.func @transform_3(%arg0: i32) -> (i32, i32, i32) {
    %c0_i32 = arith.constant 0 : i32
    %c0_i32_0 = arith.constant 0 : i32
    %c0_i32_1 = arith.constant 0 : i32
    %c0_i32_2 = arith.constant 0 : i32
    return %c0_i32, %c0_i32_0, %c0_i32_1 : i32, i32, i32
  }
  func.func @transform_4(%arg0: i32) -> i32 {
    %c0_i32 = arith.constant 0 : i32
    %c0_i32_0 = arith.constant 0 : i32
    return %c0_i32 : i32
  }
}

</mosaic_0001>

<sc_bundles>
// kernel: kernel.4.cloned.1.call-start
scs
__scs_entry_jumppad:
0x0: {  	(pc) =	sbr.rel $0x88, $3  }
0x1: {  	(tag) =	ssettag $0x0;
	lr =	simm.s32 $0x1  }
0x2: {  	[smem:$0x3F9D] =	sst lr;
	_ =	strace $0xD0000000  }
0x3: {  	_ = 	snop  }
0x4: {  	_ = 	snop  }
0x5: {  	_ = 	snop  }
0x6: {  	_ = 	snop  }
0x7: {  	_ = 	snop  }
__scs_overlays_trampoline_lowered:
0x8: {  	[smem:$0x3FAC] =	sst s0  }
0x9: {  	[smem:$0x3FAD] =	sst s1  }
0xa: {  	[smem:$0x3FAE] =	sst s2  }
0xb: {  	[smem:$0x3FAF] =	sst s3  }
0xc: {  	[smem:$0x3FB0] =	sst s4  }
0xd: {  	[smem:$0x3FB1] =	sst s5  }
0xe: {  	[smem:$0x3FB2] =	sst s6  }
0xf: {  	[smem:$0x3FB3] =	sst s7  }
0x10: {  	[smem:$0x3FB4] =	sst s8  }
0x11: {  	[smem:$0x3FB5] =	sst s9;
	s0 =	simm.s32 @!p0 $0x0  }
0x12: {  	s1 =	sld [smem:$0x3F9B];
	s0 =	simm.s32 @p0 $0x1  }
0x13: {  	[smem:$0x3FB6] =	sst s0;
	s0 =	simm.s32 @!p1 $0x0  }
0x14: {  	s2 =	sld [smem:$0x3F9A];
	s0 =	simm.s32 @p1 $0x1  }
0x15: {  	[smem:$0x3FB7] =	sst s0;
	s0 =	simm.s32 @!p2 $0x0  }
0x16: {  	s3 =	sld [smem:$0x3FDB];
	s0 =	simm.s32 @p2 $0x1  }
0x17: {  	s4 =	simm.s32 $0x1BF5;
	[smem:$0x3FB9] =	sst s0  }
0x18: {  	s0 =	sld [smem:$0x3F9C];
	_ =	swait.ge [sflag:s4], $0x0  }
0x19: {  	s7 =	sld [smem:$0x3F9D]  }
0x1a: {  	s8 =	sadd.s32 $0xFFFFE003, lr  }
0x1b: {  	s9 =	sadd.s32 $0xFFFFFEF7, lr;
	s5 =	simm.s32 $0xFFFFFFFF;
	p2 =	slt.u32 s8, $0xFFFFF086  }
0x1c: {  	p1 =	slt.u32 s9, $0xF7A;
	s5 =	simm.s32 @!p2 $0x0  }
0x1d: {  	s5 =	simm.s32 @p1 $0x1;
	p0 =	seq.s32 s7, s2  }
0x1e: {  	s7 =	smul.u32 @!p0 $0xF7A, s2;
	p2 =	seq.s32 @!p0 s5, $0x0  }
0x1f: {  	s9 =	smul.u32 $0xF7A, s1;
	s8 =	simm.s32 @!p0 $0x1BF5;
	p2 =	por !p2, p0  }
0x20: {  	[sflag:s8] =	ssyncset.s32 @!p0 $0xFFFFF086;
	s6 =	sadd.s32 @!p0 s3, s7;
	s7 =	simm.s32 @!p0 $0x108  }
0x21: {  	s3 =	sadd.s32 s3, s9;
	s6 =	sadd.s32 @!p0 $0x88, s6;
	s7 =	simm.s32 @p2 $0x1082  }
0x22: {  	[simem:s7], [sflag:s8] =	dma.local @!p0 [hbm:s6], $0xF7A  }
0x23: {  	s9 =	sor.u32 $0xD0000000, s2;
	s6 =	simm.s32 $0x108;
	_ =	swait.ge @!p0 [sflag:s8], $0x0  }
0x24: {  	s3 =	sadd.s32 $0x88, s3;
	s6 =	simm.s32 @!p1 $0x1082;
	[sflag:s4] =	ssyncset.s32 $0xFFFFF086  }
0x25: {  	[simem:s6], [sflag:s4] =	dma.local [hbm:s3], $0xF7A  }
0x26: {  	[smem:$0x3F9D] =	sst s1;
	(tag) =	ssettag s2;
	_ =	strace s9  }
0x27: {  	s1 =	sld [smem:$0x3FAD]  }
0x28: {  	s2 =	sld [smem:$0x3FAE]  }
0x29: {  	s4 =	sld [smem:$0x3FB0]  }
0x2a: {  	p0 =	seq.s32 s5, $0x0;
	s5 =	sld [smem:$0x3FB1]  }
0x2b: {  	s6 =	sld [smem:$0x3FB2]  }
0x2c: {  	s7 =	sld [smem:$0x3FB3]  }
0x2d: {  	s3 =	simm.s32 $0x108;
	s8 =	sld [smem:$0x3FB4]  }
0x2e: {  	s3 =	simm.s32 @!p0 $0x1082;
	s9 =	sld [smem:$0x3FB5]  }
0x2f: {  	lr =	sadd.s32 s0, s3;
	s0 =	sld [smem:$0x3FAC]  }
0x30: {  	s3 =	sld [smem:$0x3FAF]  }
0x31: {  	[smem:$0x3FB8] =	sst s10  }
0x32: {  	s10 =	sld [smem:$0x3FB6];
	_ =	sdelay $0x3  }
0x33: {  	p0 =	seq.s32 s10, $0x1;
	s10 =	sld [smem:$0x3FB8];
	_ =	sdelay $0x3  }
0x34: {  	[smem:$0x3FB8] =	sst s10  }
0x35: {  	s10 =	sld [smem:$0x3FB7];
	_ =	sdelay $0x3  }
0x36: {  	p1 =	seq.s32 s10, $0x1;
	s10 =	sld [smem:$0x3FB8];
	_ =	sdelay $0x3  }
0x37: {  	[smem:$0x3FB8] =	sst s10  }
0x38: {  	s10 =	sld [smem:$0x3FB9]  }
0x39: {  	_ = 	snop;
	(pc) =	sbr.ind lr, $3  }
0x3a: {  	_ = 	snop  }
0x3b: {  	_ = 	snop  }
0x3c: {  	p2 =	seq.s32 s10, $0x1;
	s10 =	sld [smem:$0x3FB8]  }
0x3d: {  	_ =	shalt  }
0x3e: {  	_ =	shalt  }
0x3f: {  	_ =	shalt  }
0x40: {  	_ =	shalt  }
0x41: {  	_ =	shalt  }
0x42: {  	_ =	shalt  }
0x43: {  	_ =	shalt  }
0x44: {  	_ =	shalt  }
0x45: {  	_ =	shalt  }
0x46: {  	_ =	shalt  }
0x47: {  	_ =	shalt  }
0x48: {  	_ =	shalt  }
0x49: {  	_ =	shalt  }
0x4a: {  	_ =	shalt  }
0x4b: {  	_ =	shalt  }
0x4c: {  	_ =	shalt  }
0x4d: {  	_ =	shalt  }
0x4e: {  	_ =	shalt  }
0x4f: {  	_ =	shalt  }
0x50: {  	_ =	shalt  }
0x51: {  	_ =	shalt  }
0x52: {  	_ =	shalt  }
0x53: {  	_ =	shalt  }
0x54: {  	_ =	shalt  }
0x55: {  	_ =	shalt  }
0x56: {  	_ =	shalt  }
0x57: {  	_ =	shalt  }
0x58: {  	_ =	shalt  }
0x59: {  	_ =	shalt  }
0x5a: {  	_ =	shalt  }
0x5b: {  	_ =	shalt  }
0x5c: {  	_ =	shalt  }
0x5d: {  	_ =	shalt  }
0x5e: {  	_ =	shalt  }
0x5f: {  	_ =	shalt  }
0x60: {  	_ =	shalt  }
0x61: {  	_ =	shalt  }
0x62: {  	_ =	shalt  }
0x63: {  	_ =	shalt  }
0x64: {  	_ =	shalt  }
0x65: {  	_ =	shalt  }
0x66: {  	_ =	shalt  }
0x67: {  	_ =	shalt  }
0x68: {  	_ =	shalt  }
0x69: {  	_ =	shalt  }
0x6a: {  	_ =	shalt  }
0x6b: {  	_ =	shalt  }
0x6c: {  	_ =	shalt  }
0x6d: {  	_ =	shalt  }
0x6e: {  	_ =	shalt  }
0x6f: {  	_ =	shalt  }
0x70: {  	_ =	shalt  }
0x71: {  	_ =	shalt  }
0x72: {  	_ =	shalt  }
0x73: {  	_ =	shalt  }
0x74: {  	_ =	shalt  }
0x75: {  	_ =	shalt  }
0x76: {  	_ =	shalt  }
0x77: {  	_ =	shalt  }
0x78: {  	_ =	shalt  }
0x79: {  	_ =	shalt  }
0x7a: {  	_ =	shalt  }
0x7b: {  	_ =	shalt  }
0x7c: {  	_ =	shalt  }
0x7d: {  	_ =	shalt  }
0x7e: {  	_ =	shalt  }
0x7f: {  	_ =	shalt  }
0x80: {  	_ =	shalt  }
0x81: {  	_ =	shalt  }
0x82: {  	_ =	shalt  }
0x83: {  	_ =	shalt  }
0x84: {  	_ =	shalt  }
0x85: {  	_ =	shalt  }
0x86: {  	_ =	shalt  }
0x87: {  	_ =	shalt  }
.Lfunc_end0:
.L_simem_size_0:
called_computation_lowered:
.L_overlay_start_0:
0x88: {  	s2 =	sld [smem:$0x3FD9]  }
0x89: {  	s3 =	sld [smem:$0x3FFE];
	_ =	sdelay $0x1  }
0x8a: {  	s1 =	srdreg.scid  }
0x8b: {  	s0 =	sand.u32 $0x1, s1  }
0x8c: {  	s17 =	sshll.u32 s0, $0xA;
	s2 =	sadd.s32 s3, s2  }
0x8d: {  	s2 =	sadd.s32 s2, s17  }
0x8e: {  	[smem:$0x3FC4] =	sst s2  }
0x8f: {  	_ = 	snop  }
0x90: {  	s2 =	sld [smem:$0x3FC9];
	(tm) =	ssettm $0x1  }
0x91: {  	s18 =	sld [smem:$0x3FFB];
	_ =	sdelay $0x3  }
0x92: {  	_ =	strace s18  }
0x93: {  	s3 =	sld [smem:$0x3FFC];
	_ =	sdelay $0x3  }
0x94: {  	_ =	strace s3  }
0x95: {  	s3 =	sld [smem:$0x3FFD];
	_ =	sdelay $0x3  }
0x96: {  	_ =	strace s3  }
0x97: {  	_ =	strace $0x8FFFFFFF  }
0x98: {  	s19 =	sld [smem:$0x3FDB];
	_ =	sdelay $0x1  }
0x99: {  	s4 =	simm.s32 $_scs_section_size  }
0x9a: {  	s5 =	simm.s32 $_size__tile_overlayer_lowered;
	s6 =	simm.s32 $_tile_overlayer_lowered  }
0x9b: {  	s22 =	simm.s32 $0x1BFF;
	s21 =	sshll.u32 s6, $0x1;
	s3 =	sadd.s32 s4, s19  }
0x9c: {  	s7 =	simm.s32 $0x0;
	s20 =	sshll.u32 s5, $0x1;
	s5 =	sadd.s32 s21, s3  }
0x9d: {  	[timem:s7], [sflag:s22] =	dma.local [hbm:s5], s20  }
0x9e: {  	_ =	swait.ge [sflag:s22], s20  }
0x9f: {  	s4 =	ssub.s32 $0x0, s20;
	[sflag:s22] =	ssyncset.done $0x0  }
0xa0: {  	[sflag:s22] =	ssyncadd.s32 s4;
	_ =	sdelay $0x1  }
0xa1: {  	s23 =	simm.s32 $0x1B8B  }
0xa2: {  	_ =	swait.ge [sflag:s23], $0x1  }
0xa3: {  	[sflag:s23] =	ssyncset.done $0x0  }
0xa4: {  	s25 =	simm.s32 $0x1B8E;
	s24 =	sld [smem:$0x3FFE];
	[sflag:s23] =	ssyncadd.s32 $0xFFFFFFFF  }
0xa5: {  	s26 =	simm.s32 $execute0_lowered;
	[smem:$0x3FD2] =	sst s25  }
0xa6: {  	s5 =	sshll.u32 s26, $0x1;
	_ =	strace $0x80000046;
	[dreg:$0x1] =	wrdreg $0xFFFFFFFF  }
0xa7: {  	s28 =	simm.s32 $_size_execute0_lowered;
	s3 =	sadd.s32 s3, s5;
	[dreg:$0x0] =	wrdreg $0x0  }
0xa8: {  	s5 =	sshll.u32 s28, $0x1;
	[dreg:$0x2] =	wrdreg s3  }
0xa9: {  	[dreg:$0x3] =	wrdreg s5  }
0xaa: {  	[dreg:$0x4] =	wrdreg $0xC0  }
0xab: {  	_ =	task [dreg:s7], $0x5FFFF  }
0xac: {  	[dreg:$0x1] =	wrdreg $0xFFFFFFFF  }
0xad: {  	[dreg:$0x0] =	wrdreg $0x60  }
0xae: {  	[dreg:$0x2] =	wrdreg s2  }
0xaf: {  	[dreg:$0x3] =	wrdreg s24  }
0xb0: {  	[dreg:$0x4] =	wrdreg $0x9  }
0xb1: {  	_ =	task.clear_ibuf [dreg:s7], $0x5FFFF;
	_ =	strace $0x90000046  }
0xb2: {  	s29 =	simm.s32 $0x9;
	_ =	strace $0x80000048  }
0xb3: {  	_ =	swait.ge [sflag:s29], $0x1  }
0xb4: {  	[sflag:s29] =	ssyncadd.s32 $0xFFFFFFFF  }
0xb5: {  	_ =	strace $0x90000048  }
0xb6: {  	_ =	sfence  }
0xb7: {  	s30 =	sld [smem:$0x0];
	_ =	sdelay $0x2  }
0xb8: {  	s31 =	sshll.u32 s1, $0xD;
	s1 =	sshrl.u32 s1, $0x2  }
0xb9: {  	s3 =	sand.u32 $0x4000, s31;
	s1 =	sadd.s32 s1, s30  }
0xba: {  	s0 =	sor.u32 s3, s0;
	s1 =	sshll.u32 s1, $0x11  }
0xbb: {  	s0 =	sor.u32 s1, s0  }
0xbc: {  	s0 =	sadd.s32 $0x8F2B, s0  }
0xbd: {  	[sflag:s0] =	ssyncadd.remote.s32 $0x1  }
0xbe: {  	_ =	sfence.sel $0xFFFF  }
0xbf: {  	[dreg:$0x0] =	wrdreg $0xFFFFFFFF;
	(pc) =	sbr.abs _section_cstart, $3  }
0xc0: {  	[dreg:$0x1] =	wrdreg $0xFFFFFFFF  }
0xc1: {  	_ =	task.clear_ibuf [dreg:s7], $0x2FFFF;
	_ =	strace $0x9FFFFFFF  }
0xc2: {  	(tm) =	ssettm $0x7FFFFFFF  }
0xc3: {  	_ =	shalt  }
tec
execute0_lowered:
.L_overlay_start_1:
0x0: {  	(tag) =	ssettag $0x1  }
0x1: {  	v0 =	vimm.s32 $0x2380;
	vm14 =	vcmask $0x300;
	vm13 =	vcmask $0x704  }
0x2: {  	vm12 =	vcmask $0xB08;
	vm11 =	vcmask $0xF0C;
	vm10 =	vcmask $0x1310  }
0x3: {  	vm9 =	vcmask $0x1714;
	vm7 =	vcmask $0x1B18;
	vm0 =	vcmask $0x1F1C  }
0x4: {  	v1 =	vimm.s32 $0x3FE8;
	v2 =	vimm.s32 $0x6380;
	vm1 =	vcmask $0x2320  }
0x5: {  	vm2 =	vcmask $0x2724;
	vm3 =	vcmask $0x2B28;
	vm4 =	vcmask $0x2F2C  }
0x6: {  	vm5 =	vcmask $0x3330;
	vm6 =	vcmask $0x3734;
	vm8 =	vcmask $0x3B38  }
0x7: {  	v3 =	vimm.s32 $0x7FE8;
	v4 =	vimm.s32 $0xA380;
	v5 =	vimm.s32 $0xBFE8  }
0x8: {  	v0 =	vsel vm14, $0x0, v0;
	v1 =	vsel vm14, $0x1C68, v1;
	v2 =	vsel vm14, $0x4000, v2  }
0x9: {  	v3 =	vsel vm14, $0x5C68, v3;
	v4 =	vsel vm14, $0x8000, v4;
	v5 =	vsel vm14, $0x9C68, v5  }
0xa: {  	v0 =	vsel vm13, $0x80, v0;
	v1 =	vsel vm13, $0x1CE8, v1;
	v2 =	vsel vm13, $0x4080, v2  }
0xb: {  	v3 =	vsel vm13, $0x5CE8, v3;
	v4 =	vsel vm13, $0x8080, v4;
	v5 =	vsel vm13, $0x9CE8, v5  }
0xc: {  	v0 =	vsel vm12, $0x100, v0;
	v1 =	vsel vm12, $0x1D68, v1;
	v2 =	vsel vm12, $0x4100, v2  }
0xd: {  	v3 =	vsel vm12, $0x5D68, v3;
	v4 =	vsel vm12, $0x8100, v4;
	v5 =	vsel vm12, $0x9D68, v5  }
0xe: {  	v0 =	vsel vm11, $0x180, v0;
	v1 =	vsel vm11, $0x1DE8, v1;
	v2 =	vsel vm11, $0x4180, v2  }
0xf: {  	v3 =	vsel vm11, $0x5DE8, v3;
	v4 =	vsel vm11, $0x8180, v4;
	v5 =	vsel vm11, $0x9DE8, v5  }
0x10: {  	v0 =	vsel vm10, $0x200, v0;
	v1 =	vsel vm10, $0x1E68, v1;
	v2 =	vsel vm10, $0x4200, v2  }
0x11: {  	v3 =	vsel vm10, $0x5E68, v3;
	v4 =	vsel vm10, $0x8200, v4;
	v5 =	vsel vm10, $0x9E68, v5  }
0x12: {  	v0 =	vsel vm9, $0x280, v0;
	v1 =	vsel vm9, $0x1EE8, v1;
	v2 =	vsel vm9, $0x4280, v2  }
0x13: {  	v3 =	vsel vm9, $0x5EE8, v3;
	v4 =	vsel vm9, $0x8280, v4;
	v5 =	vsel vm9, $0x9EE8, v5  }
0x14: {  	v0 =	vsel vm7, $0x300, v0;
	v1 =	vsel vm7, $0x1F68, v1;
	v2 =	vsel vm7, $0x4300, v2  }
0x15: {  	v3 =	vsel vm7, $0x5F68, v3;
	v4 =	vsel vm7, $0x8300, v4;
	v5 =	vsel vm7, $0x9F68, v5  }
0x16: {  	v0 =	vsel vm0, $0x380, v0;
	v1 =	vsel vm0, $0x1FE8, v1;
	v2 =	vsel vm0, $0x4380, v2  }
0x17: {  	v3 =	vsel vm0, $0x5FE8, v3;
	v4 =	vsel vm0, $0x8380, v4;
	v5 =	vsel vm0, $0x9FE8, v5  }
0x18: {  	v0 =	vsel vm1, $0x2000, v0;
	v1 =	vsel vm1, $0x3C68, v1;
	v2 =	vsel vm1, $0x6000, v2  }
0x19: {  	v3 =	vsel vm1, $0x7C68, v3;
	v4 =	vsel vm1, $0xA000, v4;
	v5 =	vsel vm1, $0xBC68, v5  }
0x1a: {  	v0 =	vsel vm2, $0x2080, v0;
	v1 =	vsel vm2, $0x3CE8, v1;
	v2 =	vsel vm2, $0x6080, v2  }
0x1b: {  	v3 =	vsel vm2, $0x7CE8, v3;
	v4 =	vsel vm2, $0xA080, v4;
	v5 =	vsel vm2, $0xBCE8, v5  }
0x1c: {  	s1 =	srdreg.scid;
	s3 =	rddreg [dreg:$0x0];
	v0 =	vsel vm3, $0x2100, v0;
	v1 =	vsel vm3, $0x3D68, v1;
	v2 =	vsel vm3, $0x6100, v2  }
0x1d: {  	s0 =	stileid.u32;
	s5 =	rddreg [dreg:$0x1];
	s2 =	simm.s32 $0x0;
	v3 =	vsel vm3, $0x7D68, v3;
	v4 =	vsel vm3, $0xA100, v4;
	v5 =	vsel vm3, $0xBD68, v5  }
0x1e: {  	s9 =	simm.s32 $0x2;
	s10 =	simm.s32 $0x18000;
	s11 =	simm.s32 $0x3;
	v0 =	vsel vm4, $0x2180, v0;
	v1 =	vsel vm4, $0x3DE8, v1;
	v2 =	vsel vm4, $0x6180, v2  }
0x1f: {  	s4 =	sand.u32 $0x1, s1;
	s30 =	sshll.u32 s0, $0x1;
	s1 =	rddreg [dreg:$0x2];
	v3 =	vsel vm4, $0x7DE8, v3;
	v4 =	vsel vm4, $0xA180, v4;
	v5 =	vsel vm4, $0xBDE8, v5  }
0x20: {  	s12 =	simm.s32 $0x0;
	[smem:$0x7FF] =	sst s2;
	s6 =	sor.u32 s4, s30;
	v0 =	vsel vm5, $0x2200, v0;
	v1 =	vsel vm5, $0x3E68, v1;
	v2 =	vsel vm5, $0x6200, v2  }
0x21: {  	s4 =	ssub.s32 $0x2, s4;
	s7 =	smul.u32 $0x1F4000, s6;
	s6 =	sshll.u32 s6, $0x1;
	v3 =	vsel vm5, $0x7E68, v3;
	v4 =	vsel vm5, $0xA200, v4;
	v5 =	vsel vm5, $0xBE68, v5  }
0x22: {  	_ =	strace $0x80000047;
	s8 =	sshrl.u32 s4, $0x1;
	s5 =	sadd.s32 s6, s5;
	v0 =	vsel vm6, $0x2280, v0;
	v1 =	vsel vm6, $0x3EE8, v1;
	v2 =	vsel vm6, $0x6280, v2  }
0x23: {  	s31 =	ssub.s32 s4, s8;
	s8 =	simm.s32 $0x1;
	s7 =	sshrl.u32 s7, $0x3;
	v3 =	vsel vm6, $0x7EE8, v3;
	v4 =	vsel vm6, $0xA280, v4;
	v5 =	vsel vm6, $0xBEE8, v5  }
0x24: {  	s5 =	sadd.s32 $0xA00, s5;
	s6 =	smax.u32 s31, $0x1;
	s7 =	sadd.s32 s3, s7;
	v0 =	vsel vm8, $0x2300, v0;
	v1 =	vsel vm8, $0x3F68, v1;
	v2 =	vsel vm8, $0x6300, v2  }
0x25: {  	s3 =	sadd.s32 $0x1DC00, s7;
	s4 =	sadd.s32 $0x3D000, s7;
	s7 =	simm.s32 $0xC000;
	v60 =	vsel vm8, $0x7F68, v3;
	v4 =	vsel vm8, $0xA300, v4;
	v41 =	vsel vm8, $0xBF68, v5  }
.LBB2_1:
0x26: {  	s13 =	simm.s32 $0x6  }
0x27: {  	s20 =	simm.s32 $0x5;
	v6 =	vmov s13  }
0x28: {  	v8 =	vmov s20;
	v7 =	vshll.u32 v6, $0x3  }
0x29: {  	s21 =	simm.s32 $0x4;
	v6 =	vand.u32 $0x7F, v6;
	v9 =	vshll.u32 v8, $0x3;
	v7 =	vand.u32 $0x7C00, v7  }
0x2a: {  	v6 =	vor.u32 v6, v7;
	v7 =	vand.u32 $0x7F, v8;
	v8 =	vmov s21  }
0x2b: {  	v9 =	vand.u32 $0x7C00, v9;
	v6 =	vadd.s32 v0, v6;
	v10 =	vshll.u32 v8, $0x3  }
0x2c: {  	s14 =	simm.s32 $0x2;
	v7 =	vor.u32 v7, v9;
	v8 =	vand.u32 $0x7F, v8;
	v9 =	vand.u32 $0x7C00, v10  }
0x2d: {  	s22 =	simm.s32 $0x3;
	v7 =	vadd.s32 v0, v7;
	v10 =	vmov s14;
	v8 =	vor.u32 v8, v9  }
0x2e: {  	v9 =	vmov s22;
	v12 =	vshll.u32 v10, $0x3;
	v10 =	vand.u32 $0x7F, v10  }
0x2f: {  	[tilespmem:s2], [sflag:$0x1] =	stream.linear.gather [hbm4b:s3+s2], $0xC000, $0x38;
	v8 =	vadd.s32 v0, v8;
	v11 =	vshll.u32 v9, $0x3;
	v12 =	vand.u32 $0x7C00, v12;
	[tilespmem:$0x18080] =	vst v63  }
0x30: {  	s23 =	simm.s32 $0x1;
	s24 =	simm.s32 $0x0;
	v9 =	vand.u32 $0x7F, v9;
	v11 =	vand.u32 $0x7C00, v11;
	v10 =	vor.u32 v10, v12  }
0x31: {  	[tilespmem:s7], [sflag:$0x2] =	stream.linear.gather [hbm4b:s4+s2], $0xC000, $0x38;
	v12 =	vmov s24;
	v9 =	vor.u32 v9, v11;
	v11 =	vmov s23;
	[tilespmem:$0x18080] =	vst v63  }
0x32: {  	_ =	swait.ge [sflag:s8], $0xC000;
	v10 =	vadd.s32 v0, v10;
	v14 =	vshll.u32 v12, $0x3;
	v13 =	vshll.u32 v11, $0x3  }
0x33: {  	[sflag:s8] =	ssyncset.done $0x0;
	v9 =	vadd.s32 v0, v9;
	v11 =	vand.u32 $0x7F, v11;
	v13 =	vand.u32 $0x7C00, v13  }
0x34: {  	[sflag:s8] =	ssyncadd.s32 $0xFFFF4000;
	v12 =	vand.u32 $0x7F, v12;
	v14 =	vand.u32 $0x3C00, v14;
	v11 =	vor.u32 v11, v13  }
0x35: {  	v13 =	vld.idx.msk [tilespmem:v6+s2+$0x0], $0xffff;
	v6 =	vor.u32 v12, v14;
	v11 =	vadd.s32 v0, v11  }
0x36: {  	s25 =	simm.s32 $0xD;
	s26 =	simm.s32 $0xC;
	s31 =	simm.s32 $0x8;
	v7 =	vld.idx.msk [tilespmem:v7+s2+$0x0], $0xffff;
	v12 =	vadd.s32 v0, v6  }
0x37: {  	v16 =	vmov s26;
	v18 =	vmov s31;
	v14 =	vmov s25;
	v8 =	vld.idx.msk [tilespmem:v8+s2+$0x0], $0xffff  }
0x38: {  	v17 =	vshll.u32 v16, $0x3;
	v16 =	vand.u32 $0x7F, v16;
	v15 =	vshll.u32 v14, $0x3;
	v9 =	vld.idx.msk [tilespmem:v9+s2+$0x0], $0xffff  }
0x39: {  	v17 =	vand.u32 $0x7C00, v17;
	v14 =	vand.u32 $0x7F, v14;
	v15 =	vand.u32 $0x7C00, v15;
	v10 =	vld.idx.msk [tilespmem:v10+s2+$0x0], $0xffff  }
0x3a: {  	v6 =	vimm.f32 $0.0e+00;
	v14 =	vor.u32 v14, v15;
	v15 =	vmul.f32 $1.442695020e+00, v13;
	v11 =	vld.idx.msk [tilespmem:v11+s2+$0x0], $0xffff  }
0x3b: {  	v7 =	vmul.f32 $1.442695020e+00, v7;
	v13 =	vadd.s32 v0, v14;
	v14 =	vor.u32 v16, v17;
	v12 =	vld.idx.msk [tilespmem:v12+s2+$0x0], $0xffff  }
0x3c: {  	s28 =	simm.s32 $0xB;
	v8 =	vmul.f32 $1.442695020e+00, v8;
	v14 =	vadd.s32 v0, v14;
	(erf) = vpow2.f32 v15  }
0x3d: {  	v15 =	vmov s28;
	v9 =	vmul.f32 $1.442695020e+00, v9;
	(erf) = vpow2.f32 v7  }
0x3e: {  	v10 =	vmul.f32 $1.442695020e+00, v10;
	v7 =	vshll.u32 v15, $0x3;
	(erf) = vpow2.f32 v8  }
0x3f: {  	v16 =	vand.u32 $0x7F, v15;
	v7 =	vand.u32 $0x7C00, v7;
	(erf) = vpow2.f32 v9  }
0x40: {  	s29 =	simm.s32 $0xA;
	v7 =	vor.u32 v16, v7;
	v8 =	vmul.f32 $1.442695020e+00, v11;
	v9 =	vmul.f32 $1.442695020e+00, v12  }
0x41: {  	s30 =	simm.s32 $0x9;
	(erf) = vpow2.f32 v10;
	v10 =	vmov s29;
	v15 =	vadd.s32 v0, v7  }
0x42: {  	v7 =	vmov s30;
	v12 =	vimm.f32 $0.0e+00;
	v11 =	vimm.f32 $0.0e+00  }
0x43: {  	(erf) = vpow2.f32 v8;
	v8 =	vshll.u32 v10, $0x3;
	v10 =	vand.u32 $0x7F, v10  }
0x44: {  	(erf) = vpow2.f32 v9;
	v9 =	vshll.u32 v7, $0x3;
	v8 =	vand.u32 $0x7C00, v8  }
0x45: {  	v7 =	vand.u32 $0x7F, v7;
	v9 =	vand.u32 $0x7C00, v9;
	v8 =	vor.u32 v10, v8  }
0x46: {  	v10 =	vimm.f32 $0.0e+00;
	v19 =	vor.u32 v7, v9;
	v17 =	vadd.s32 v0, v8  }
0x47: {  	s13 =	simm.s32 $0x14;
	s14 =	simm.s32 $0x7;
	v8 =	vimm.f32 $0.0e+00;
	v9 =	vimm.f32 $0.0e+00;
	v16 =	vpop (erf);
	v7 =	vimm.f32 $0.0e+00  }
.LBB2_2:
0x48: {  	p0 =	sne.s32 s13, $0x3E8;
	v20 =	vmov s14;
	v5 =	vshll.u32 v18, $0x3;
	v19 =	vadd.s32 v0, v19;
	v22 =	vpop (erf)  }
0x49: {  	v18 =	vand.u32 $0x7F, v18;
	v23 =	vshll.u32 v20, $0x3;
	v3 =	vand.u32 $0x7C00, v5;
	v24 =	vpop (erf)  }
0x4a: {  	v20 =	vand.u32 $0x7F, v20;
	v23 =	vand.u32 $0x3C00, v23;
	v18 =	vor.u32 v18, v3;
	v13 =	vld.idx.msk [tilespmem:v13+s2+$0x0], $0xffff;
	v21 =	vpop (erf)  }
0x4b: {  	v6 =	vadd.f32 v16, v6;
	v20 =	vor.u32 v20, v23;
	v18 =	vadd.s32 v0, v18;
	v16 =	vpop (erf)  }
0x4c: {  	v8 =	vadd.f32 v22, v8;
	v12 =	vadd.f32 v24, v12;
	v20 =	vadd.s32 v0, v20;
	v14 =	vld.idx.msk [tilespmem:v14+s2+$0x0], $0xffff;
	v22 =	vpop (erf)  }
0x4d: {  	v23 =	vmov s13;
	v10 =	vadd.f32 v21, v10;
	v9 =	vadd.f32 v16, v9;
	v15 =	vld.idx.msk [tilespmem:v15+s2+$0x0], $0xffff;
	v16 =	vpop (erf)  }
0x4e: {  	s14 =	sadd.s32 $0xFFFFFFFF, s13;
	v21 =	vshll.u32 v23, $0x3;
	v7 =	vadd.f32 v22, v7;
	v17 =	vld.idx.msk [tilespmem:v17+s2+$0x0], $0xffff;
	v11 =	vadd.f32 v16, v11  }
0x4f: {  	v22 =	vand.u32 $0x7F, v23;
	v21 =	vand.u32 $0x7C00, v21;
	v16 =	vmov s14;
	v19 =	vld.idx.msk [tilespmem:v19+s2+$0x0], $0xffff  }
0x50: {  	v21 =	vor.u32 v22, v21;
	v23 =	vshll.u32 v16, $0x3;
	v22 =	vmul.f32 $1.442695020e+00, v13;
	v18 =	vld.idx.msk [tilespmem:v18+s2+$0x0], $0xffff  }
0x51: {  	v16 =	vand.u32 $0x7F, v16;
	v13 =	vadd.s32 v0, v21;
	v23 =	vand.u32 $0x7C00, v23;
	v20 =	vld.idx.msk [tilespmem:v20+s2+$0x0], $0xffff  }
0x52: {  	s14 =	sadd.s32 $0xFFFFFFFE, s13;
	v16 =	vor.u32 v16, v23;
	v21 =	vmul.f32 $1.442695020e+00, v14;
	(erf) = vpow2.f32 v22  }
0x53: {  	v22 =	vmov s14;
	v14 =	vadd.s32 v0, v16;
	v15 =	vmul.f32 $1.442695020e+00, v15  }
0x54: {  	v16 =	vand.u32 $0x7F, v22;
	v17 =	vmul.f32 $1.442695020e+00, v17;
	(erf) = vpow2.f32 v21  }
0x55: {  	v21 =	vshll.u32 v22, $0x3;
	v19 =	vmul.f32 $1.442695020e+00, v19;
	(erf) = vpow2.f32 v15  }
0x56: {  	v15 =	vand.u32 $0x7C00, v21;
	v18 =	vmul.f32 $1.442695020e+00, v18;
	(erf) = vpow2.f32 v17  }
0x57: {  	s14 =	sadd.s32 $0xFFFFFFFD, s13;
	v15 =	vor.u32 v16, v15;
	v16 =	vmul.f32 $1.442695020e+00, v20;
	(erf) = vpow2.f32 v19  }
.Ltmp0:
0x58: {  	s15 =	sadd.s32 $0xFFFFFFFC, s13;
	v17 =	vmov s14;
	v15 =	vadd.s32 v0, v15;
	(erf) = vpow2.f32 v18;
	(pc) =	sbr.rel @p0 .LBB2_2-.Ltmp0, $4  }
0x59: {  	v19 =	vshll.u32 v17, $0x3;
	v18 =	vmov s15;
	(erf) = vpow2.f32 v16  }
0x5a: {  	v17 =	vand.u32 $0x7F, v17;
	v19 =	vand.u32 $0x7C00, v19;
	v3 =	vshll.u32 v18, $0x3  }
0x5b: {  	s15 =	sadd.s32 $0xFFFFFFFB, s13;
	v20 =	vand.u32 $0x7F, v18;
	v17 =	vor.u32 v17, v19;
	v21 =	vand.u32 $0x7C00, v3;
	v16 =	vpop (erf)  }
0x5c: {  	s14 =	sadd.s32 $0xFFFFFFFA, s13;
	s13 =	sadd.s32 $0x7, s13;
	v18 =	vmov s15;
	v17 =	vadd.s32 v0, v17;
	v19 =	vor.u32 v20, v21  }
0x5d: {  	_ =	sdelay $0x2  }
0x5e: {  	v19 =	vadd.s32 v0, v19  }
0x5f: {  	v13 =	vld.idx.msk [tilespmem:v13+s2+$0x0], $0xffff  }
0x60: {  	v14 =	vld.idx.msk [tilespmem:v14+s2+$0x0], $0xffff  }
0x61: {  	v20 =	vmov s14;
	v15 =	vld.idx.msk [tilespmem:v15+s2+$0x0], $0xffff;
	v21 =	vshll.u32 v18, $0x3  }
0x62: {  	v17 =	vld.idx.msk [tilespmem:v17+s2+$0x0], $0xffff;
	v18 =	vand.u32 $0x7F, v18;
	v22 =	vshll.u32 v20, $0x3;
	v21 =	vand.u32 $0x7C00, v21  }
0x63: {  	v20 =	vand.u32 $0x7F, v20;
	v22 =	vand.u32 $0x3C00, v22;
	v18 =	vor.u32 v18, v21;
	v19 =	vld.idx.msk [tilespmem:v19+s2+$0x0], $0xffff  }
0x64: {  	v20 =	vor.u32 v20, v22;
	v18 =	vadd.s32 v0, v18;
	v13 =	vmul.f32 $1.442695020e+00, v13  }
0x65: {  	v20 =	vadd.s32 v0, v20;
	v14 =	vmul.f32 $1.442695020e+00, v14  }
0x66: {  	(erf) = vpow2.f32 v13;
	v13 =	vmul.f32 $1.442695020e+00, v15  }
0x67: {  	v15 =	vmul.f32 $1.442695020e+00, v17  }
0x68: {  	(erf) = vpow2.f32 v14;
	v14 =	vmul.f32 $1.442695020e+00, v19  }
0x69: {  	v17 =	vld.idx.msk [tilespmem:v18+s2+$0x0], $0xffff;
	(erf) = vpow2.f32 v13  }
0x6a: {  	v18 =	vld.idx.msk [tilespmem:v20+s2+$0x0], $0xffff;
	(erf) = vpow2.f32 v15;
	v13 =	vpop (erf)  }
0x6b: {  	v15 =	vpop (erf);
	(erf) = vpow2.f32 v14  }
0x6c: {  	v14 =	vpop (erf)  }
0x6d: {  	v19 =	vpop (erf)  }
0x6e: {  	v20 =	vpop (erf)  }
0x6f: {  	v8 =	vadd.f32 v13, v8;
	v13 =	vmul.f32 $1.442695020e+00, v18;
	v21 =	vpop (erf)  }
0x70: {  	v6 =	vadd.f32 v16, v6;
	v12 =	vadd.f32 v15, v12;
	v15 =	vmul.f32 $1.442695020e+00, v17;
	v16 =	vpop (erf)  }
0x71: {  	v10 =	vadd.f32 v14, v10;
	v17 =	vpop (erf)  }
0x72: {  	v9 =	vadd.f32 v19, v9;
	(erf) = vpow2.f32 v15;
	v14 =	vadd.f32 v21, v11;
	v11 =	vpop (erf)  }
0x73: {  	s13 =	simm.s32 $0x6;
	v15 =	vadd.f32 v20, v7;
	(erf) = vpow2.f32 v13;
	v6 =	vadd.f32 v16, v6;
	v13 =	vpop (erf)  }
0x74: {  	s19 =	simm.s32 $0x5;
	v8 =	vadd.f32 v17, v8;
	v7 =	vadd.f32 v11, v12;
	v11 =	vmov s13;
	v16 =	vpop (erf)  }
0x75: {  	v12 =	vshll.u32 v11, $0x3;
	v9 =	vadd.f32 v16, v9;
	v16 =	vmov s19  }
0x76: {  	s20 =	simm.s32 $0x4;
	v11 =	vand.u32 $0x7F, v11;
	v12 =	vand.u32 $0x7C00, v12;
	v17 =	vshll.u32 v16, $0x3  }
0x77: {  	s31 =	simm.s32 $0x8;
	v11 =	vor.u32 v11, v12;
	v12 =	vand.u32 $0x7F, v16;
	v16 =	vmov s20  }
0x78: {  	v26 =	vmov s31;
	v17 =	vand.u32 $0x7C00, v17;
	v18 =	vshll.u32 v16, $0x3  }
0x79: {  	v16 =	vand.u32 $0x7F, v16;
	v12 =	vor.u32 v12, v17;
	v17 =	vand.u32 $0x7C00, v18  }
0x7a: {  	s21 =	simm.s32 $0x3;
	s22 =	simm.s32 $0x2;
	v11 =	vadd.s32 v2, v11;
	v18 =	vadd.s32 v2, v12;
	v12 =	vor.u32 v16, v17  }
0x7b: {  	v16 =	vmov s21;
	v17 =	vadd.s32 v2, v12;
	v12 =	vmov s22  }
0x7c: {  	v19 =	vshll.u32 v16, $0x3;
	v16 =	vand.u32 $0x7F, v16;
	v20 =	vshll.u32 v12, $0x3  }
0x7d: {  	s23 =	simm.s32 $0x1;
	v19 =	vand.u32 $0x7C00, v19;
	v12 =	vand.u32 $0x7F, v12;
	v20 =	vand.u32 $0x7C00, v20  }
0x7e: {  	s24 =	simm.s32 $0x0;
	v16 =	vor.u32 v16, v19;
	v19 =	vmov s23;
	v12 =	vor.u32 v12, v20  }
0x7f: {  	v16 =	vadd.s32 v2, v16;
	v20 =	vmov s24;
	v21 =	vshll.u32 v19, $0x3  }
0x80: {  	v19 =	vand.u32 $0x7F, v19;
	v22 =	vadd.s32 v2, v12;
	v12 =	vshll.u32 v20, $0x3  }
0x81: {  	v23 =	vpop (erf);
	v21 =	vand.u32 $0x7C00, v21;
	v20 =	vand.u32 $0x7F, v20;
	v12 =	vand.u32 $0x3C00, v12  }
0x82: {  	s25 =	simm.s32 $0xD;
	v19 =	vor.u32 v19, v21;
	v21 =	vld.idx.msk [tilespmem:v11+s2+$0x0], $0xffff;
	v11 =	vadd.f32 v13, v10;
	v10 =	vpop (erf);
	v13 =	vor.u32 v20, v12  }
0x83: {  	v18 =	vld.idx.msk [tilespmem:v18+s2+$0x0], $0xffff;
	v19 =	vadd.s32 v2, v19;
	v12 =	vadd.f32 v10, v14;
	v20 =	vmov s25  }
0x84: {  	s26 =	simm.s32 $0xC;
	v10 =	vadd.s32 v2, v13;
	v13 =	vadd.f32 v23, v15;
	v15 =	vld.idx.msk [tilespmem:v17+s2+$0x0], $0xffff;
	v17 =	vshll.u32 v20, $0x3  }
0x85: {  	v23 =	vmov s26;
	v20 =	vand.u32 $0x7F, v20;
	v16 =	vld.idx.msk [tilespmem:v16+s2+$0x0], $0xffff;
	v17 =	vand.u32 $0x7C00, v17  }
0x86: {  	v14 =	vimm.f32 $0.0e+00;
	v24 =	vld.idx.msk [tilespmem:v22+s2+$0x0], $0xffff;
	v22 =	vshll.u32 v23, $0x3;
	v17 =	vor.u32 v20, v17  }
0x87: {  	v23 =	vand.u32 $0x7F, v23;
	v20 =	vmul.f32 $1.442695020e+00, v21;
	v22 =	vand.u32 $0x7C00, v22  }
0x88: {  	s28 =	simm.s32 $0xB;
	v18 =	vmul.f32 $1.442695020e+00, v18;
	v21 =	vadd.s32 v2, v17;
	v19 =	vld.idx.msk [tilespmem:v19+s2+$0x0], $0xffff;
	v17 =	vor.u32 v23, v22  }
0x89: {  	(erf) = vpow2.f32 v20;
	v20 =	vmov s28;
	v15 =	vmul.f32 $1.442695020e+00, v15  }
0x8a: {  	v10 =	vld.idx.msk [tilespmem:v10+s2+$0x0], $0xffff;
	v22 =	vadd.s32 v2, v17;
	v16 =	vmul.f32 $1.442695020e+00, v16;
	(erf) = vpow2.f32 v18  }
0x8b: {  	v17 =	vand.u32 $0x7F, v20;
	v18 =	vshll.u32 v20, $0x3;
	(erf) = vpow2.f32 v15  }
0x8c: {  	s29 =	simm.s32 $0xA;
	v20 =	vmul.f32 $1.442695020e+00, v24;
	v15 =	vand.u32 $0x7C00, v18;
	(erf) = vpow2.f32 v16  }
0x8d: {  	s30 =	simm.s32 $0x9;
	v15 =	vor.u32 v17, v15;
	v16 =	vmov s29;
	v18 =	vmul.f32 $1.442695020e+00, v19  }
0x8e: {  	(erf) = vpow2.f32 v20;
	v23 =	vadd.s32 v2, v15;
	v15 =	vmov s30  }
0x8f: {  	v17 =	vshll.u32 v16, $0x3;
	v16 =	vand.u32 $0x7F, v16;
	v10 =	vmul.f32 $1.442695020e+00, v10  }
0x90: {  	v19 =	vimm.f32 $0.0e+00;
	v17 =	vand.u32 $0x7C00, v17;
	(erf) = vpow2.f32 v18  }
0x91: {  	v20 =	vimm.f32 $0.0e+00;
	v16 =	vor.u32 v16, v17;
	(erf) = vpow2.f32 v10  }
0x92: {  	v18 =	vimm.f32 $0.0e+00;
	v17 =	vimm.f32 $0.0e+00;
	v10 =	vshll.u32 v15, $0x3  }
0x93: {  	v15 =	vand.u32 $0x7F, v15;
	v25 =	vadd.s32 v2, v16;
	v10 =	vand.u32 $0x7C00, v10  }
0x94: {  	s14 =	simm.s32 $0x7;
	s13 =	simm.s32 $0x14;
	v16 =	vimm.f32 $0.0e+00;
	v27 =	vor.u32 v15, v10;
	v15 =	vimm.f32 $0.0e+00;
	v10 =	vld.idx.msk [tilespmem:v1+s2+$0x0], $0xffff;
	v24 =	vpop (erf)  }
.LBB2_4:
0x95: {  	p0 =	sne.s32 s13, $0x3E8;
	v28 =	vmov s14;
	v5 =	vshll.u32 v26, $0x3;
	v27 =	vadd.s32 v2, v27;
	v30 =	vpop (erf)  }
0x96: {  	v26 =	vand.u32 $0x7F, v26;
	v31 =	vshll.u32 v28, $0x3;
	v3 =	vand.u32 $0x7C00, v5;
	v32 =	vpop (erf)  }
0x97: {  	v28 =	vand.u32 $0x7F, v28;
	v31 =	vand.u32 $0x3C00, v31;
	v26 =	vor.u32 v26, v3;
	v21 =	vld.idx.msk [tilespmem:v21+s2+$0x0], $0xffff;
	v29 =	vpop (erf)  }
0x98: {  	v14 =	vadd.f32 v24, v14;
	v28 =	vor.u32 v28, v31;
	v26 =	vadd.s32 v2, v26;
	v24 =	vpop (erf)  }
0x99: {  	v15 =	vadd.f32 v30, v15;
	v18 =	vadd.f32 v32, v18;
	v28 =	vadd.s32 v2, v28;
	v22 =	vld.idx.msk [tilespmem:v22+s2+$0x0], $0xffff;
	v30 =	vpop (erf)  }
0x9a: {  	v31 =	vmov s13;
	v19 =	vadd.f32 v29, v19;
	v16 =	vadd.f32 v24, v16;
	v23 =	vld.idx.msk [tilespmem:v23+s2+$0x0], $0xffff;
	v24 =	vpop (erf)  }
0x9b: {  	s14 =	sadd.s32 $0xFFFFFFFF, s13;
	v29 =	vshll.u32 v31, $0x3;
	v17 =	vadd.f32 v30, v17;
	v25 =	vld.idx.msk [tilespmem:v25+s2+$0x0], $0xffff;
	v20 =	vadd.f32 v24, v20  }
0x9c: {  	v30 =	vand.u32 $0x7F, v31;
	v29 =	vand.u32 $0x7C00, v29;
	v24 =	vmov s14;
	v27 =	vld.idx.msk [tilespmem:v27+s2+$0x0], $0xffff  }
0x9d: {  	v29 =	vor.u32 v30, v29;
	v31 =	vshll.u32 v24, $0x3;
	v30 =	vmul.f32 $1.442695020e+00, v21;
	v26 =	vld.idx.msk [tilespmem:v26+s2+$0x0], $0xffff  }
0x9e: {  	v24 =	vand.u32 $0x7F, v24;
	v21 =	vadd.s32 v2, v29;
	v31 =	vand.u32 $0x7C00, v31;
	v28 =	vld.idx.msk [tilespmem:v28+s2+$0x0], $0xffff  }
0x9f: {  	s14 =	sadd.s32 $0xFFFFFFFE, s13;
	v24 =	vor.u32 v24, v31;
	v29 =	vmul.f32 $1.442695020e+00, v22;
	(erf) = vpow2.f32 v30  }
0xa0: {  	v30 =	vmov s14;
	v22 =	vadd.s32 v2, v24;
	v23 =	vmul.f32 $1.442695020e+00, v23  }
0xa1: {  	v24 =	vand.u32 $0x7F, v30;
	v25 =	vmul.f32 $1.442695020e+00, v25;
	(erf) = vpow2.f32 v29  }
0xa2: {  	v29 =	vshll.u32 v30, $0x3;
	v27 =	vmul.f32 $1.442695020e+00, v27;
	(erf) = vpow2.f32 v23  }
0xa3: {  	v23 =	vand.u32 $0x7C00, v29;
	v26 =	vmul.f32 $1.442695020e+00, v26;
	(erf) = vpow2.f32 v25  }
0xa4: {  	s14 =	sadd.s32 $0xFFFFFFFD, s13;
	v23 =	vor.u32 v24, v23;
	v24 =	vmul.f32 $1.442695020e+00, v28;
	(erf) = vpow2.f32 v27  }
.Ltmp1:
0xa5: {  	s15 =	sadd.s32 $0xFFFFFFFC, s13;
	v25 =	vmov s14;
	v23 =	vadd.s32 v2, v23;
	(erf) = vpow2.f32 v26;
	(pc) =	sbr.rel @p0 .LBB2_4-.Ltmp1, $4  }
0xa6: {  	v27 =	vshll.u32 v25, $0x3;
	v26 =	vmov s15;
	(erf) = vpow2.f32 v24  }
0xa7: {  	v25 =	vand.u32 $0x7F, v25;
	v27 =	vand.u32 $0x7C00, v27;
	v3 =	vshll.u32 v26, $0x3  }
0xa8: {  	s15 =	sadd.s32 $0xFFFFFFFB, s13;
	v28 =	vand.u32 $0x7F, v26;
	v25 =	vor.u32 v25, v27;
	v29 =	vand.u32 $0x7C00, v3;
	v24 =	vpop (erf)  }
0xa9: {  	s14 =	sadd.s32 $0xFFFFFFFA, s13;
	s13 =	sadd.s32 $0x7, s13;
	v26 =	vmov s15;
	v25 =	vadd.s32 v2, v25;
	v27 =	vor.u32 v28, v29  }
0xaa: {  	_ =	sdelay $0x2  }
0xab: {  	v27 =	vadd.s32 v2, v27  }
0xac: {  	v21 =	vld.idx.msk [tilespmem:v21+s2+$0x0], $0xffff  }
0xad: {  	v22 =	vld.idx.msk [tilespmem:v22+s2+$0x0], $0xffff  }
0xae: {  	v23 =	vld.idx.msk [tilespmem:v23+s2+$0x0], $0xffff  }
0xaf: {  	v28 =	vmov s14;
	v29 =	vshll.u32 v26, $0x3;
	v25 =	vld.idx.msk [tilespmem:v25+s2+$0x0], $0xffff  }
0xb0: {  	v26 =	vand.u32 $0x7F, v26;
	v30 =	vshll.u32 v28, $0x3;
	v29 =	vand.u32 $0x7C00, v29;
	v27 =	vld.idx.msk [tilespmem:v27+s2+$0x0], $0xffff  }
0xb1: {  	v28 =	vand.u32 $0x7F, v28;
	v26 =	vor.u32 v26, v29;
	v21 =	vmul.f32 $1.442695020e+00, v21  }
0xb2: {  	v30 =	vand.u32 $0x3C00, v30;
	v26 =	vadd.s32 v2, v26;
	v22 =	vmul.f32 $1.442695020e+00, v22  }
0xb3: {  	v28 =	vor.u32 v28, v30;
	(erf) = vpow2.f32 v21;
	v21 =	vmul.f32 $1.442695020e+00, v23  }
0xb4: {  	v28 =	vadd.s32 v2, v28;
	v23 =	vmul.f32 $1.442695020e+00, v25  }
0xb5: {  	(erf) = vpow2.f32 v22;
	v22 =	vmul.f32 $1.442695020e+00, v27  }
0xb6: {  	(erf) = vpow2.f32 v21  }
0xb7: {  	v25 =	vld.idx.msk [tilespmem:v26+s2+$0x0], $0xffff;
	(erf) = vpow2.f32 v23;
	v21 =	vpop (erf)  }
0xb8: {  	v23 =	vpop (erf);
	(erf) = vpow2.f32 v22  }
0xb9: {  	v26 =	vld.idx.msk [tilespmem:v28+s2+$0x0], $0xffff;
	v22 =	vpop (erf)  }
0xba: {  	v27 =	vpop (erf)  }
0xbb: {  	v28 =	vpop (erf)  }
0xbc: {  	v18 =	vadd.f32 v23, v18;
	v23 =	vmul.f32 $1.442695020e+00, v25;
	v29 =	vpop (erf)  }
0xbd: {  	v14 =	vadd.f32 v24, v14;
	v24 =	vpop (erf)  }
0xbe: {  	s31 =	simm.s32 $0x8;
	v15 =	vadd.f32 v21, v15;
	v21 =	vadd.f32 v27, v16;
	v16 =	vmul.f32 $1.442695020e+00, v26;
	v25 =	vpop (erf)  }
0xbf: {  	v34 =	vmov s31;
	v19 =	vadd.f32 v22, v19;
	(erf) = vpow2.f32 v23;
	v22 =	vpop (erf)  }
0xc0: {  	s13 =	simm.s32 $0x6;
	v17 =	vadd.f32 v28, v17;
	v20 =	vadd.f32 v29, v20;
	(erf) = vpow2.f32 v16;
	v23 =	vpop (erf)  }
0xc1: {  	v14 =	vadd.f32 v24, v14;
	v16 =	vadd.f32 v22, v18;
	v22 =	vmov s13;
	v24 =	vpop (erf)  }
0xc2: {  	s19 =	simm.s32 $0x5;
	v15 =	vadd.f32 v25, v15;
	v18 =	vadd.f32 v24, v21;
	v21 =	vshll.u32 v22, $0x3  }
0xc3: {  	v24 =	vmov s19;
	v22 =	vand.u32 $0x7F, v22;
	v21 =	vand.u32 $0x7C00, v21  }
0xc4: {  	s20 =	simm.s32 $0x4;
	v25 =	vshll.u32 v24, $0x3;
	v21 =	vor.u32 v22, v21;
	v22 =	vand.u32 $0x7F, v24  }
0xc5: {  	v24 =	vmov s20;
	v25 =	vand.u32 $0x7C00, v25;
	v21 =	vadd.s32 v4, v21  }
0xc6: {  	s22 =	simm.s32 $0x2;
	v26 =	vshll.u32 v24, $0x3;
	v22 =	vor.u32 v22, v25;
	v24 =	vand.u32 $0x7F, v24  }
0xc7: {  	s21 =	simm.s32 $0x3;
	v25 =	vand.u32 $0x7C00, v26;
	v22 =	vadd.s32 v4, v22;
	v26 =	vmov s22  }
0xc8: {  	v24 =	vor.u32 v24, v25;
	v25 =	vmov s21;
	v28 =	vshll.u32 v26, $0x3  }
0xc9: {  	v26 =	vand.u32 $0x7F, v26;
	v24 =	vadd.s32 v4, v24;
	v27 =	vshll.u32 v25, $0x3  }
0xca: {  	s24 =	simm.s32 $0x0;
	v25 =	vand.u32 $0x7F, v25;
	v28 =	vand.u32 $0x7C00, v28;
	v27 =	vand.u32 $0x7C00, v27  }
0xcb: {  	s23 =	simm.s32 $0x1;
	v26 =	vor.u32 v26, v28;
	v28 =	vmov s24;
	v25 =	vor.u32 v25, v27  }
0xcc: {  	v27 =	vmov s23;
	v26 =	vadd.s32 v4, v26;
	v30 =	vshll.u32 v28, $0x3  }
0xcd: {  	v28 =	vand.u32 $0x7F, v28;
	v25 =	vadd.s32 v4, v25;
	v29 =	vshll.u32 v27, $0x3  }
0xce: {  	v27 =	vand.u32 $0x7F, v27;
	v30 =	vand.u32 $0x3C00, v30;
	v29 =	vand.u32 $0x7C00, v29  }
0xcf: {  	s25 =	simm.s32 $0xD;
	v19 =	vadd.f32 v23, v19;
	v31 =	vpop (erf);
	v23 =	vor.u32 v28, v30;
	v27 =	vor.u32 v27, v29;
	v29 =	vld.idx.msk [tilespmem:v21+s2+$0x0], $0xffff  }
0xd0: {  	v28 =	vld.idx.msk [tilespmem:v22+s2+$0x0], $0xffff;
	v30 =	vmov s25;
	v22 =	vimm.f32 $0.0e+00;
	v21 =	vpop (erf);
	v23 =	vadd.s32 v4, v23  }
0xd1: {  	s26 =	simm.s32 $0xC;
	v27 =	vadd.s32 v4, v27;
	v20 =	vadd.f32 v21, v20;
	v21 =	vadd.f32 v31, v17;
	v17 =	vld.idx.msk [tilespmem:v24+s2+$0x0], $0xffff  }
0xd2: {  	v24 =	vshll.u32 v30, $0x3;
	v31 =	vmov s26;
	v30 =	vand.u32 $0x7F, v30;
	v26 =	vld.idx.msk [tilespmem:v26+s2+$0x0], $0xffff  }
0xd3: {  	v24 =	vand.u32 $0x7C00, v24;
	v32 =	vshll.u32 v31, $0x3;
	v31 =	vand.u32 $0x7F, v31;
	v25 =	vld.idx.msk [tilespmem:v25+s2+$0x0], $0xffff  }
0xd4: {  	v24 =	vor.u32 v30, v24;
	v32 =	vand.u32 $0x7C00, v32;
	v30 =	vmul.f32 $1.442695020e+00, v29  }
0xd5: {  	s28 =	simm.s32 $0xB;
	v28 =	vmul.f32 $1.442695020e+00, v28;
	v29 =	vadd.s32 v4, v24;
	v23 =	vld.idx.msk [tilespmem:v23+s2+$0x0], $0xffff;
	v24 =	vor.u32 v31, v32  }
0xd6: {  	v31 =	vmov s28;
	v27 =	vld.idx.msk [tilespmem:v27+s2+$0x0], $0xffff;
	v17 =	vmul.f32 $1.442695020e+00, v17;
	(erf) = vpow2.f32 v30  }
0xd7: {  	v30 =	vadd.s32 v4, v24;
	v24 =	vand.u32 $0x7F, v31;
	v26 =	vmul.f32 $1.442695020e+00, v26  }
0xd8: {  	v25 =	vmul.f32 $1.442695020e+00, v25;
	(erf) = vpow2.f32 v28;
	v28 =	vshll.u32 v31, $0x3  }
0xd9: {  	(erf) = vpow2.f32 v17;
	v17 =	vand.u32 $0x7C00, v28;
	v28 =	vimm.f32 $0.0e+00  }
0xda: {  	s29 =	simm.s32 $0xA;
	(erf) = vpow2.f32 v25;
	v17 =	vor.u32 v24, v17;
	v23 =	vmul.f32 $1.442695020e+00, v23  }
0xdb: {  	s30 =	simm.s32 $0x9;
	v24 =	vmov s29;
	v27 =	vmul.f32 $1.442695020e+00, v27;
	(erf) = vpow2.f32 v26  }
0xdc: {  	v3 =	vld.idx.msk [tilespmem:v60+s2+$0x0], $0xffff;
	v31 =	vadd.s32 v4, v17;
	v17 =	vmov s30;
	v25 =	vshll.u32 v24, $0x3  }
0xdd: {  	v24 =	vand.u32 $0x7F, v24;
	v25 =	vand.u32 $0x7C00, v25;
	(erf) = vpow2.f32 v27  }
0xde: {  	v26 =	vimm.f32 $0.0e+00;
	v24 =	vor.u32 v24, v25;
	(erf) = vpow2.f32 v23  }
0xdf: {  	v27 =	vimm.f32 $0.0e+00;
	v25 =	vimm.f32 $0.0e+00;
	v23 =	vshll.u32 v17, $0x3  }
0xe0: {  	v17 =	vand.u32 $0x7F, v17;
	v33 =	vadd.s32 v4, v24;
	v23 =	vand.u32 $0x7C00, v23  }
0xe1: {  	s14 =	simm.s32 $0x7;
	[tilespmem:$0x1FFF0] =	vst v3;
	s13 =	simm.s32 $0x14;
	v24 =	vimm.f32 $0.0e+00;
	v35 =	vor.u32 v17, v23;
	v23 =	vimm.f32 $0.0e+00;
	v32 =	vpop (erf)  }
.LBB2_6:
0xe2: {  	p0 =	sne.s32 s13, $0x3E8;
	v36 =	vmov s14;
	v5 =	vshll.u32 v34, $0x3;
	v35 =	vadd.s32 v4, v35;
	v38 =	vpop (erf)  }
0xe3: {  	v34 =	vand.u32 $0x7F, v34;
	v39 =	vshll.u32 v36, $0x3;
	v3 =	vand.u32 $0x7C00, v5;
	v40 =	vpop (erf)  }
0xe4: {  	v36 =	vand.u32 $0x7F, v36;
	v39 =	vand.u32 $0x3C00, v39;
	v34 =	vor.u32 v34, v3;
	v29 =	vld.idx.msk [tilespmem:v29+s2+$0x0], $0xffff;
	v37 =	vpop (erf)  }
0xe5: {  	v22 =	vadd.f32 v32, v22;
	v36 =	vor.u32 v36, v39;
	v34 =	vadd.s32 v4, v34;
	v32 =	vpop (erf)  }
0xe6: {  	v23 =	vadd.f32 v38, v23;
	v26 =	vadd.f32 v40, v26;
	v36 =	vadd.s32 v4, v36;
	v30 =	vld.idx.msk [tilespmem:v30+s2+$0x0], $0xffff;
	v38 =	vpop (erf)  }
0xe7: {  	v39 =	vmov s13;
	v27 =	vadd.f32 v37, v27;
	v24 =	vadd.f32 v32, v24;
	v31 =	vld.idx.msk [tilespmem:v31+s2+$0x0], $0xffff;
	v32 =	vpop (erf)  }
0xe8: {  	s14 =	sadd.s32 $0xFFFFFFFF, s13;
	v37 =	vshll.u32 v39, $0x3;
	v25 =	vadd.f32 v38, v25;
	v33 =	vld.idx.msk [tilespmem:v33+s2+$0x0], $0xffff;
	v28 =	vadd.f32 v32, v28  }
0xe9: {  	v38 =	vand.u32 $0x7F, v39;
	v37 =	vand.u32 $0x7C00, v37;
	v32 =	vmov s14;
	v35 =	vld.idx.msk [tilespmem:v35+s2+$0x0], $0xffff  }
0xea: {  	v37 =	vor.u32 v38, v37;
	v39 =	vshll.u32 v32, $0x3;
	v38 =	vmul.f32 $1.442695020e+00, v29;
	v34 =	vld.idx.msk [tilespmem:v34+s2+$0x0], $0xffff  }
0xeb: {  	v32 =	vand.u32 $0x7F, v32;
	v29 =	vadd.s32 v4, v37;
	v39 =	vand.u32 $0x7C00, v39;
	v36 =	vld.idx.msk [tilespmem:v36+s2+$0x0], $0xffff  }
0xec: {  	s14 =	sadd.s32 $0xFFFFFFFE, s13;
	v32 =	vor.u32 v32, v39;
	v37 =	vmul.f32 $1.442695020e+00, v30;
	(erf) = vpow2.f32 v38  }
0xed: {  	v38 =	vmov s14;
	v30 =	vadd.s32 v4, v32;
	v31 =	vmul.f32 $1.442695020e+00, v31  }
0xee: {  	v32 =	vand.u32 $0x7F, v38;
	v33 =	vmul.f32 $1.442695020e+00, v33;
	(erf) = vpow2.f32 v37  }
0xef: {  	v37 =	vshll.u32 v38, $0x3;
	v35 =	vmul.f32 $1.442695020e+00, v35;
	(erf) = vpow2.f32 v31  }
0xf0: {  	v31 =	vand.u32 $0x7C00, v37;
	v34 =	vmul.f32 $1.442695020e+00, v34;
	(erf) = vpow2.f32 v33  }
0xf1: {  	s14 =	sadd.s32 $0xFFFFFFFD, s13;
	v31 =	vor.u32 v32, v31;
	v32 =	vmul.f32 $1.442695020e+00, v36;
	(erf) = vpow2.f32 v35  }
.Ltmp2:
0xf2: {  	s15 =	sadd.s32 $0xFFFFFFFC, s13;
	v33 =	vmov s14;
	v31 =	vadd.s32 v4, v31;
	(erf) = vpow2.f32 v34;
	(pc) =	sbr.rel @p0 .LBB2_6-.Ltmp2, $4  }
0xf3: {  	v35 =	vshll.u32 v33, $0x3;
	v34 =	vmov s15;
	(erf) = vpow2.f32 v32  }
0xf4: {  	v33 =	vand.u32 $0x7F, v33;
	v35 =	vand.u32 $0x7C00, v35;
	v3 =	vshll.u32 v34, $0x3  }
0xf5: {  	s15 =	sadd.s32 $0xFFFFFFFB, s13;
	v36 =	vand.u32 $0x7F, v34;
	v33 =	vor.u32 v33, v35;
	v37 =	vand.u32 $0x7C00, v3;
	v32 =	vpop (erf)  }
0xf6: {  	s14 =	sadd.s32 $0xFFFFFFFA, s13;
	s13 =	sadd.s32 $0x7, s13;
	v34 =	vmov s15;
	v33 =	vadd.s32 v4, v33;
	v35 =	vor.u32 v36, v37  }
0xf7: {  	_ =	sdelay $0x2  }
0xf8: {  	v35 =	vadd.s32 v4, v35  }
0xf9: {  	v29 =	vld.idx.msk [tilespmem:v29+s2+$0x0], $0xffff  }
0xfa: {  	v30 =	vld.idx.msk [tilespmem:v30+s2+$0x0], $0xffff  }
0xfb: {  	v31 =	vld.idx.msk [tilespmem:v31+s2+$0x0], $0xffff  }
0xfc: {  	v36 =	vmov s14;
	v37 =	vshll.u32 v34, $0x3;
	v33 =	vld.idx.msk [tilespmem:v33+s2+$0x0], $0xffff;
	v46 =	vand.u32 $0x7F, v34  }
0xfd: {  	v38 =	vshll.u32 v36, $0x3;
	v37 =	vand.u32 $0x7C00, v37;
	v36 =	vand.u32 $0x7F, v36;
	v35 =	vld.idx.msk [tilespmem:v35+s2+$0x0], $0xffff  }
0xfe: {  	v38 =	vand.u32 $0x3C00, v38;
	v34 =	vor.u32 v46, v37;
	v29 =	vmul.f32 $1.442695020e+00, v29  }
0xff: {  	v36 =	vor.u32 v36, v38;
	v34 =	vadd.s32 v4, v34;
	v30 =	vmul.f32 $1.442695020e+00, v30  }
0x100: {  	v36 =	vadd.s32 v4, v36;
	(erf) = vpow2.f32 v29;
	v29 =	vmul.f32 $1.442695020e+00, v31  }
0x101: {  	v31 =	vmul.f32 $1.442695020e+00, v33  }
0x102: {  	(erf) = vpow2.f32 v30;
	v30 =	vmul.f32 $1.442695020e+00, v35  }
0x103: {  	(erf) = vpow2.f32 v29  }
0x104: {  	v47 =	vld.idx.msk [tilespmem:v34+s2+$0x0], $0xffff;
	v29 =	vpop (erf);
	(erf) = vpow2.f32 v31  }
0x105: {  	v48 =	vld.idx.msk [tilespmem:v36+s2+$0x0], $0xffff;
	v31 =	vpop (erf);
	(erf) = vpow2.f32 v30  }
0x106: {  	s22 =	simm.s32 $0x2;
	s23 =	simm.s32 $0x1;
	v30 =	vpop (erf)  }
0x107: {  	v22 =	vadd.f32 v32, v22;
	s31 =	simm.s32 $0x8;
	v58 =	vmov s22;
	v63 =	vmov s23;
	v49 =	vpop (erf)  }
0x108: {  	v42 =	vmov s31;
	v61 =	vshll.u32 v58, $0x3;
	v40 =	vshll.u32 v63, $0x3;
	v50 =	vpop (erf)  }
0x109: {  	v37 =	vand.u32 $0x7C00, v61;
	v26 =	vadd.f32 v31, v26;
	v31 =	vmul.f32 $1.442695020e+00, v47;
	v51 =	vpop (erf)  }
0x10a: {  	v38 =	vand.u32 $0x7F, v63;
	v29 =	vadd.f32 v29, v23;
	v23 =	vmul.f32 $1.442695020e+00, v48;
	v52 =	vpop (erf)  }
0x10b: {  	v40 =	vand.u32 $0x7C00, v40;
	v53 =	vadd.f32 v49, v24;
	(erf) = vpow2.f32 v31;
	v24 =	vpop (erf)  }
0x10c: {  	v38 =	vor.u32 v38, v40;
	v27 =	vadd.f32 v30, v27;
	(erf) = vpow2.f32 v23;
	v30 =	vpop (erf)  }
0x10d: {  	s13 =	simm.s32 $0x6;
	v35 =	vand.u32 $0x7F, v58;
	v31 =	vadd.f32 v50, v25;
	v23 =	vadd.f32 v52, v22;
	v54 =	vpop (erf)  }
0x10e: {  	s19 =	simm.s32 $0x5;
	v24 =	vadd.f32 v24, v29;
	v29 =	vmov s13;
	v25 =	vadd.f32 v30, v26;
	v22 =	vpop (erf)  }
0x10f: {  	v30 =	vmov s19;
	v26 =	vadd.f32 v22, v53;
	v22 =	vshll.u32 v29, $0x3  }
0x110: {  	s20 =	simm.s32 $0x4;
	v55 =	vshll.u32 v30, $0x3;
	v29 =	vand.u32 $0x7F, v29;
	v22 =	vand.u32 $0x7C00, v22  }
0x111: {  	v22 =	vor.u32 v29, v22;
	v29 =	vand.u32 $0x7F, v30;
	v30 =	vmov s20  }
0x112: {  	v35 =	vor.u32 v35, v37;
	v56 =	vadd.s32 v0, v22;
	v22 =	vshll.u32 v30, $0x3  }
0x113: {  	s21 =	simm.s32 $0x3;
	v32 =	vand.u32 $0x7C00, v55;
	v30 =	vand.u32 $0x7F, v30;
	v22 =	vand.u32 $0x7C00, v22  }
0x114: {  	v29 =	vor.u32 v29, v32;
	v59 =	vpop (erf);
	v22 =	vor.u32 v30, v22;
	v30 =	vmov s21  }
0x115: {  	v29 =	vadd.s32 v0, v29;
	v39 =	vpop (erf);
	v57 =	vadd.s32 v0, v22;
	v22 =	vshll.u32 v30, $0x3  }
0x116: {  	s29 =	simm.s32 $0xA;
	v35 =	vadd.s32 v0, v35;
	v30 =	vand.u32 $0x7F, v30;
	v62 =	vand.u32 $0x7C00, v22;
	v22 =	vld.idx.msk [tilespmem:v41+s2+$0x0], $0xffff;
	_ =	swait.ge [sflag:s9], $0xC000  }
0x117: {  	s24 =	simm.s32 $0x0;
	s25 =	simm.s32 $0xD;
	v61 =	vmov s29;
	v46 =	vadd.s32 v0, v38;
	v30 =	vor.u32 v30, v62;
	[sflag:s9] =	ssyncset.done $0x0  }
0x118: {  	v49 =	vmov s25;
	v44 =	vadd.s32 v0, v30;
	v30 =	vmov s24;
	[sflag:s9] =	ssyncadd.s32 $0xFFFF4000  }
0x119: {  	v50 =	vshll.u32 v49, $0x3;
	v40 =	vand.u32 $0x7F, v49;
	v45 =	vshll.u32 v30, $0x3;
	v33 =	vld.idx.msk [tilespmem:v56+s7+$0x0], $0xffff  }
0x11a: {  	v17 =	vmovc v41;
	s26 =	simm.s32 $0xC;
	v28 =	vadd.f32 v51, v28;
	v30 =	vand.u32 $0x7F, v30;
	v48 =	vld.idx.msk [tilespmem:v29+s7+$0x0], $0xffff;
	v41 =	vand.u32 $0x3C00, v45  }
0x11b: {  	v52 =	vmov s26;
	v27 =	vadd.f32 v54, v27;
	v35 =	vld.idx.msk [tilespmem:v35+s7+$0x0], $0xffff;
	v30 =	vor.u32 v30, v41  }
0x11c: {  	v54 =	vand.u32 $0x7F, v52;
	v32 =	vand.u32 $0x7C00, v50;
	v34 =	vld.idx.msk [tilespmem:v46+s7+$0x0], $0xffff;
	v47 =	vadd.s32 v0, v30  }
0x11d: {  	s28 =	simm.s32 $0xB;
	v53 =	vshll.u32 v52, $0x3;
	v32 =	vor.u32 v40, v32;
	v29 =	vadd.f32 v59, v31;
	v31 =	vld.idx.msk [tilespmem:v57+s7+$0x0], $0xffff  }
0x11e: {  	v28 =	vadd.f32 v39, v28;
	v37 =	vadd.s32 v0, v32;
	v57 =	vmov s28;
	v51 =	vld.idx.msk [tilespmem:v44+s7+$0x0], $0xffff  }
0x11f: {  	v62 =	vshll.u32 v61, $0x3;
	v41 =	vand.u32 $0x7C00, v53;
	v58 =	vand.u32 $0x7F, v57  }
0x120: {  	v30 =	vimm.f32 $0.0e+00;
	v33 =	vmul.f32 $1.442695020e+00, v33;
	v39 =	vmul.f32 $1.442695020e+00, v48  }
0x121: {  	v56 =	vor.u32 v54, v41;
	v35 =	vmul.f32 $1.442695020e+00, v35;
	v59 =	vmul.f32 $1.442695020e+00, v34;
	v55 =	vld.idx.msk [tilespmem:v47+s7+$0x0], $0xffff  }
0x122: {  	v38 =	vadd.s32 v0, v56;
	v31 =	vmul.f32 $1.442695020e+00, v31;
	(erf) = vpow2.f32 v33  }
0x123: {  	v33 =	vshll.u32 v57, $0x3;
	(erf) = vpow2.f32 v39;
	v36 =	vmul.f32 $1.442695020e+00, v51  }
0x124: {  	v34 =	vand.u32 $0x7F, v61;
	(erf) = vpow2.f32 v31;
	v31 =	vand.u32 $0x7C00, v33  }
0x125: {  	v33 =	vand.u32 $0x7C00, v62;
	v31 =	vor.u32 v58, v31;
	(erf) = vpow2.f32 v36  }
0x126: {  	v33 =	vor.u32 v34, v33;
	(erf) = vpow2.f32 v35;
	v32 =	vmul.f32 $1.442695020e+00, v55  }
0x127: {  	s30 =	simm.s32 $0x9;
	v34 =	vimm.f32 $0.0e+00;
	v39 =	vadd.s32 v0, v31;
	(erf) = vpow2.f32 v59  }
0x128: {  	v31 =	vmov s30;
	v41 =	vadd.s32 v0, v33;
	(erf) = vpow2.f32 v32  }
0x129: {  	v36 =	vimm.f32 $0.0e+00;
	v33 =	vimm.f32 $0.0e+00;
	v63 =	vshll.u32 v31, $0x3  }
0x12a: {  	v31 =	vand.u32 $0x7F, v31;
	v35 =	vimm.f32 $0.0e+00;
	v32 =	vand.u32 $0x7C00, v63  }
0x12b: {  	s14 =	simm.s32 $0x7;
	s13 =	simm.s32 $0x14;
	v43 =	vor.u32 v31, v32;
	v32 =	vimm.f32 $0.0e+00;
	v40 =	vpop (erf);
	v31 =	vimm.f32 $0.0e+00  }
.LBB2_8:
0x12c: {  	p0 =	sne.s32 s13, $0x3E8;
	v44 =	vmov s14;
	v5 =	vshll.u32 v42, $0x3;
	v43 =	vadd.s32 v0, v43;
	v46 =	vpop (erf)  }
0x12d: {  	v42 =	vand.u32 $0x7F, v42;
	v47 =	vshll.u32 v44, $0x3;
	v3 =	vand.u32 $0x7C00, v5;
	v48 =	vpop (erf)  }
0x12e: {  	v44 =	vand.u32 $0x7F, v44;
	v47 =	vand.u32 $0x3C00, v47;
	v42 =	vor.u32 v42, v3;
	v37 =	vld.idx.msk [tilespmem:v37+s7+$0x0], $0xffff;
	v45 =	vpop (erf)  }
0x12f: {  	v30 =	vadd.f32 v40, v30;
	v44 =	vor.u32 v44, v47;
	v42 =	vadd.s32 v0, v42;
	v40 =	vpop (erf)  }
0x130: {  	v32 =	vadd.f32 v46, v32;
	v36 =	vadd.f32 v48, v36;
	v44 =	vadd.s32 v0, v44;
	v38 =	vld.idx.msk [tilespmem:v38+s7+$0x0], $0xffff;
	v46 =	vpop (erf)  }
0x131: {  	v47 =	vmov s13;
	v34 =	vadd.f32 v45, v34;
	v33 =	vadd.f32 v40, v33;
	v39 =	vld.idx.msk [tilespmem:v39+s7+$0x0], $0xffff;
	v40 =	vpop (erf)  }
0x132: {  	s14 =	sadd.s32 $0xFFFFFFFF, s13;
	v45 =	vshll.u32 v47, $0x3;
	v31 =	vadd.f32 v46, v31;
	v41 =	vld.idx.msk [tilespmem:v41+s7+$0x0], $0xffff;
	v35 =	vadd.f32 v40, v35  }
0x133: {  	v46 =	vand.u32 $0x7F, v47;
	v45 =	vand.u32 $0x7C00, v45;
	v40 =	vmov s14;
	v43 =	vld.idx.msk [tilespmem:v43+s7+$0x0], $0xffff  }
0x134: {  	v45 =	vor.u32 v46, v45;
	v47 =	vshll.u32 v40, $0x3;
	v46 =	vmul.f32 $1.442695020e+00, v37;
	v42 =	vld.idx.msk [tilespmem:v42+s7+$0x0], $0xffff  }
0x135: {  	v40 =	vand.u32 $0x7F, v40;
	v37 =	vadd.s32 v0, v45;
	v47 =	vand.u32 $0x7C00, v47;
	v44 =	vld.idx.msk [tilespmem:v44+s7+$0x0], $0xffff  }
0x136: {  	s14 =	sadd.s32 $0xFFFFFFFE, s13;
	v40 =	vor.u32 v40, v47;
	v45 =	vmul.f32 $1.442695020e+00, v38;
	(erf) = vpow2.f32 v46  }
0x137: {  	v46 =	vmov s14;
	v38 =	vadd.s32 v0, v40;
	v39 =	vmul.f32 $1.442695020e+00, v39  }
0x138: {  	v40 =	vand.u32 $0x7F, v46;
	v41 =	vmul.f32 $1.442695020e+00, v41;
	(erf) = vpow2.f32 v45  }
0x139: {  	v45 =	vshll.u32 v46, $0x3;
	v43 =	vmul.f32 $1.442695020e+00, v43;
	(erf) = vpow2.f32 v39  }
0x13a: {  	v39 =	vand.u32 $0x7C00, v45;
	v42 =	vmul.f32 $1.442695020e+00, v42;
	(erf) = vpow2.f32 v41  }
0x13b: {  	s14 =	sadd.s32 $0xFFFFFFFD, s13;
	v39 =	vor.u32 v40, v39;
	v40 =	vmul.f32 $1.442695020e+00, v44;
	(erf) = vpow2.f32 v43  }
.Ltmp3:
0x13c: {  	s15 =	sadd.s32 $0xFFFFFFFC, s13;
	v41 =	vmov s14;
	v39 =	vadd.s32 v0, v39;
	(erf) = vpow2.f32 v42;
	(pc) =	sbr.rel @p0 .LBB2_8-.Ltmp3, $4  }
0x13d: {  	v43 =	vshll.u32 v41, $0x3;
	v42 =	vmov s15;
	(erf) = vpow2.f32 v40  }
0x13e: {  	v41 =	vand.u32 $0x7F, v41;
	v43 =	vand.u32 $0x7C00, v43;
	v3 =	vshll.u32 v42, $0x3  }
0x13f: {  	s15 =	sadd.s32 $0xFFFFFFFB, s13;
	v44 =	vand.u32 $0x7F, v42;
	v41 =	vor.u32 v41, v43;
	v45 =	vand.u32 $0x7C00, v3;
	v40 =	vpop (erf)  }
0x140: {  	s14 =	sadd.s32 $0xFFFFFFFA, s13;
	s13 =	sadd.s32 $0x7, s13;
	v42 =	vmov s15;
	v41 =	vadd.s32 v0, v41;
	v43 =	vor.u32 v44, v45  }
0x141: {  	_ =	sdelay $0x3  }
0x142: {  	v43 =	vadd.s32 v0, v43;
	v37 =	vld.idx.msk [tilespmem:v37+s7+$0x0], $0xffff;
	v45 =	vshll.u32 v42, $0x3  }
0x143: {  	v38 =	vld.idx.msk [tilespmem:v38+s7+$0x0], $0xffff;
	v44 =	vmov s14;
	v50 =	vand.u32 $0x7F, v42;
	v45 =	vand.u32 $0x7C00, v45  }
0x144: {  	v39 =	vld.idx.msk [tilespmem:v39+s7+$0x0], $0xffff;
	v46 =	vshll.u32 v44, $0x3;
	v42 =	vor.u32 v50, v45  }
0x145: {  	v41 =	vld.idx.msk [tilespmem:v41+s7+$0x0], $0xffff;
	v44 =	vand.u32 $0x7F, v44;
	v46 =	vand.u32 $0x3C00, v46;
	v42 =	vadd.s32 v0, v42  }
0x146: {  	v54 =	vpop (erf);
	v44 =	vor.u32 v44, v46  }
0x147: {  	v55 =	vpop (erf);
	v44 =	vadd.s32 v0, v44;
	v37 =	vmul.f32 $1.442695020e+00, v37  }
0x148: {  	v30 =	vadd.f32 v40, v30;
	v57 =	vpop (erf);
	v36 =	vadd.f32 v55, v36;
	v43 =	vld.idx.msk [tilespmem:v43+s7+$0x0], $0xffff;
	v38 =	vmul.f32 $1.442695020e+00, v38  }
0x149: {  	v59 =	vpop (erf);
	v34 =	vadd.f32 v57, v34;
	v51 =	vmul.f32 $1.442695020e+00, v39;
	(erf) = vpow2.f32 v37  }
0x14a: {  	s21 =	simm.s32 $0x3;
	v61 =	vpop (erf);
	v33 =	vadd.f32 v59, v33;
	v52 =	vmul.f32 $1.442695020e+00, v41;
	(erf) = vpow2.f32 v38;
	v56 =	vld.idx.msk [tilespmem:v42+s7+$0x0], $0xffff  }
0x14b: {  	s22 =	simm.s32 $0x2;
	v62 =	vpop (erf);
	v39 =	vadd.f32 v61, v31;
	v61 =	vmov s21;
	(erf) = vpow2.f32 v51  }
0x14c: {  	s13 =	simm.s32 $0x6;
	v37 =	vadd.f32 v54, v32;
	v38 =	vadd.f32 v62, v35;
	v62 =	vmov s22;
	v58 =	vld.idx.msk [tilespmem:v44+s7+$0x0], $0xffff  }
0x14d: {  	s24 =	simm.s32 $0x0;
	v51 =	vmov s13;
	v53 =	vmul.f32 $1.442695020e+00, v43;
	(erf) = vpow2.f32 v52  }
0x14e: {  	s19 =	simm.s32 $0x5;
	v52 =	vshll.u32 v51, $0x3;
	v35 =	vand.u32 $0x7F, v51;
	v51 =	vmov s24  }
0x14f: {  	s20 =	simm.s32 $0x4;
	(erf) = vpow2.f32 v53;
	v53 =	vmov s19;
	v63 =	vmul.f32 $1.442695020e+00, v56  }
0x150: {  	v54 =	vshll.u32 v53, $0x3;
	v55 =	vand.u32 $0x7F, v53;
	v56 =	vmov s20  }
0x151: {  	v47 =	vmul.f32 $1.442695020e+00, v58;
	v40 =	vand.u32 $0x7C00, v54;
	v57 =	vshll.u32 v56, $0x3  }
0x152: {  	v54 =	vshll.u32 v51, $0x3;
	(erf) = vpow2.f32 v63;
	v63 =	vshll.u32 v61, $0x3;
	v46 =	vpop (erf)  }
0x153: {  	s26 =	simm.s32 $0xC;
	v58 =	vand.u32 $0x7C00, v57;
	(erf) = vpow2.f32 v47;
	v43 =	vand.u32 $0x7C00, v63;
	v48 =	vpop (erf)  }
0x154: {  	v63 =	vmov s26;
	v30 =	vadd.f32 v46, v30;
	v49 =	vpop (erf);
	v31 =	vadd.f32 v48, v37  }
0x155: {  	v37 =	vand.u32 $0x7F, v56;
	v48 =	vshll.u32 v62, $0x3;
	v32 =	vadd.f32 v49, v36  }
0x156: {  	s23 =	simm.s32 $0x1;
	v36 =	vand.u32 $0x7C00, v52;
	v59 =	vor.u32 v37, v58;
	v37 =	vand.u32 $0x7F, v61  }
0x157: {  	v44 =	vand.u32 $0x7C00, v48;
	v49 =	vmov s23;
	v35 =	vor.u32 v35, v36  }
0x158: {  	s25 =	simm.s32 $0xD;
	v36 =	vor.u32 v55, v40;
	v40 =	vadd.s32 v2, v59;
	v37 =	vor.u32 v37, v43  }
0x159: {  	v42 =	vpop (erf);
	v52 =	vshll.u32 v49, $0x3;
	v43 =	vand.u32 $0x7F, v49;
	v59 =	vmov s25  }
0x15a: {  	v50 =	vpop (erf);
	v35 =	vadd.s32 v2, v35;
	v41 =	vadd.s32 v2, v36;
	v36 =	vand.u32 $0x7F, v62  }
0x15b: {  	v45 =	vand.u32 $0x7C00, v52;
	v62 =	vshll.u32 v59, $0x3;
	v33 =	vadd.f32 v50, v33  }
0x15c: {  	v36 =	vor.u32 v36, v44;
	v50 =	vadd.s32 v2, v37;
	v37 =	vand.u32 $0x7F, v51  }
0x15d: {  	v43 =	vor.u32 v43, v45;
	v53 =	vadd.s32 v2, v36;
	v36 =	vand.u32 $0x3C00, v54  }
0x15e: {  	s29 =	simm.s32 $0xA;
	v57 =	vadd.s32 v2, v43;
	v43 =	vand.u32 $0x7F, v59;
	v47 =	vpop (erf);
	v37 =	vor.u32 v37, v36;
	v61 =	vld.idx.msk [tilespmem:v40+s7+$0x0], $0xffff  }
0x15f: {  	v59 =	vmov s29;
	v58 =	vadd.s32 v2, v37;
	v37 =	vadd.f32 v47, v39;
	v55 =	vld.idx.msk [tilespmem:v35+s7+$0x0], $0xffff  }
0x160: {  	v56 =	vpop (erf);
	v40 =	vand.u32 $0x7C00, v62;
	v47 =	vand.u32 $0x7F, v63;
	v62 =	vshll.u32 v59, $0x3;
	v41 =	vld.idx.msk [tilespmem:v41+s7+$0x0], $0xffff  }
0x161: {  	v35 =	vadd.f32 v42, v34;
	v36 =	vadd.f32 v56, v38;
	v38 =	vimm.f32 $0.0e+00  }
0x162: {  	v40 =	vor.u32 v43, v40;
	v43 =	vimm.f32 $0.0e+00;
	v44 =	vld.idx.msk [tilespmem:v50+s7+$0x0], $0xffff;
	v50 =	vshll.u32 v63, $0x3  }
0x163: {  	s28 =	simm.s32 $0xB;
	s31 =	simm.s32 $0x8;
	v45 =	vadd.s32 v2, v40;
	v40 =	vand.u32 $0x7F, v59;
	v48 =	vld.idx.msk [tilespmem:v53+s7+$0x0], $0xffff;
	v46 =	vand.u32 $0x7C00, v50  }
0x164: {  	v42 =	vld.idx.msk [tilespmem:v57+s7+$0x0], $0xffff;
	v53 =	vmov s28;
	v50 =	vmov s31;
	v51 =	vmul.f32 $1.442695020e+00, v55  }
0x165: {  	v52 =	vor.u32 v47, v46;
	v54 =	vand.u32 $0x7F, v53;
	v34 =	vld.idx.msk [tilespmem:v58+s7+$0x0], $0xffff;
	v41 =	vmul.f32 $1.442695020e+00, v41  }
0x166: {  	s30 =	simm.s32 $0x9;
	v46 =	vadd.s32 v2, v52;
	v39 =	vmul.f32 $1.442695020e+00, v61;
	(erf) = vpow2.f32 v51  }
0x167: {  	v61 =	vmov s30;
	v44 =	vmul.f32 $1.442695020e+00, v44;
	(erf) = vpow2.f32 v41  }
0x168: {  	v55 =	vshll.u32 v53, $0x3;
	v56 =	vmul.f32 $1.442695020e+00, v48;
	(erf) = vpow2.f32 v39  }
0x169: {  	v63 =	vshll.u32 v61, $0x3;
	v58 =	vmul.f32 $1.442695020e+00, v42;
	(erf) = vpow2.f32 v44  }
0x16a: {  	v57 =	vand.u32 $0x7C00, v55;
	v34 =	vmul.f32 $1.442695020e+00, v34;
	(erf) = vpow2.f32 v56  }
0x16b: {  	v42 =	vimm.f32 $0.0e+00;
	v41 =	vand.u32 $0x7C00, v62;
	(erf) = vpow2.f32 v58  }
0x16c: {  	v39 =	vor.u32 v54, v57;
	v40 =	vor.u32 v40, v41;
	(erf) = vpow2.f32 v34  }
0x16d: {  	v41 =	vimm.f32 $0.0e+00;
	v47 =	vadd.s32 v2, v39;
	v39 =	vand.u32 $0x7F, v61  }
0x16e: {  	v49 =	vadd.s32 v2, v40;
	v40 =	vimm.f32 $0.0e+00;
	v34 =	vand.u32 $0x7C00, v63  }
0x16f: {  	s14 =	simm.s32 $0x7;
	s13 =	simm.s32 $0x14;
	v44 =	vimm.f32 $0.0e+00;
	v51 =	vor.u32 v39, v34;
	v39 =	vimm.f32 $0.0e+00;
	v34 =	vld.idx.msk [tilespmem:v1+s7+$0x0], $0xffff;
	v48 =	vpop (erf)  }
.LBB2_10:
0x170: {  	p0 =	sne.s32 s13, $0x3E8;
	v52 =	vmov s14;
	v5 =	vshll.u32 v50, $0x3;
	v51 =	vadd.s32 v2, v51;
	v54 =	vpop (erf)  }
0x171: {  	v50 =	vand.u32 $0x7F, v50;
	v55 =	vshll.u32 v52, $0x3;
	v3 =	vand.u32 $0x7C00, v5;
	v56 =	vpop (erf)  }
0x172: {  	v52 =	vand.u32 $0x7F, v52;
	v55 =	vand.u32 $0x3C00, v55;
	v50 =	vor.u32 v50, v3;
	v45 =	vld.idx.msk [tilespmem:v45+s7+$0x0], $0xffff;
	v53 =	vpop (erf)  }
0x173: {  	v38 =	vadd.f32 v48, v38;
	v52 =	vor.u32 v52, v55;
	v50 =	vadd.s32 v2, v50;
	v48 =	vpop (erf)  }
0x174: {  	v39 =	vadd.f32 v54, v39;
	v42 =	vadd.f32 v56, v42;
	v52 =	vadd.s32 v2, v52;
	v46 =	vld.idx.msk [tilespmem:v46+s7+$0x0], $0xffff;
	v54 =	vpop (erf)  }
0x175: {  	v55 =	vmov s13;
	v43 =	vadd.f32 v53, v43;
	v40 =	vadd.f32 v48, v40;
	v47 =	vld.idx.msk [tilespmem:v47+s7+$0x0], $0xffff;
	v48 =	vpop (erf)  }
0x176: {  	s14 =	sadd.s32 $0xFFFFFFFF, s13;
	v53 =	vshll.u32 v55, $0x3;
	v41 =	vadd.f32 v54, v41;
	v49 =	vld.idx.msk [tilespmem:v49+s7+$0x0], $0xffff;
	v44 =	vadd.f32 v48, v44  }
0x177: {  	v54 =	vand.u32 $0x7F, v55;
	v53 =	vand.u32 $0x7C00, v53;
	v48 =	vmov s14;
	v51 =	vld.idx.msk [tilespmem:v51+s7+$0x0], $0xffff  }
0x178: {  	v53 =	vor.u32 v54, v53;
	v55 =	vshll.u32 v48, $0x3;
	v54 =	vmul.f32 $1.442695020e+00, v45;
	v50 =	vld.idx.msk [tilespmem:v50+s7+$0x0], $0xffff  }
0x179: {  	v48 =	vand.u32 $0x7F, v48;
	v45 =	vadd.s32 v2, v53;
	v55 =	vand.u32 $0x7C00, v55;
	v52 =	vld.idx.msk [tilespmem:v52+s7+$0x0], $0xffff  }
0x17a: {  	s14 =	sadd.s32 $0xFFFFFFFE, s13;
	v48 =	vor.u32 v48, v55;
	v53 =	vmul.f32 $1.442695020e+00, v46;
	(erf) = vpow2.f32 v54  }
0x17b: {  	v54 =	vmov s14;
	v46 =	vadd.s32 v2, v48;
	v47 =	vmul.f32 $1.442695020e+00, v47  }
0x17c: {  	v48 =	vand.u32 $0x7F, v54;
	v49 =	vmul.f32 $1.442695020e+00, v49;
	(erf) = vpow2.f32 v53  }
0x17d: {  	v53 =	vshll.u32 v54, $0x3;
	v51 =	vmul.f32 $1.442695020e+00, v51;
	(erf) = vpow2.f32 v47  }
0x17e: {  	v47 =	vand.u32 $0x7C00, v53;
	v50 =	vmul.f32 $1.442695020e+00, v50;
	(erf) = vpow2.f32 v49  }
0x17f: {  	s14 =	sadd.s32 $0xFFFFFFFD, s13;
	v47 =	vor.u32 v48, v47;
	v48 =	vmul.f32 $1.442695020e+00, v52;
	(erf) = vpow2.f32 v51  }
.Ltmp4:
0x180: {  	s15 =	sadd.s32 $0xFFFFFFFC, s13;
	v49 =	vmov s14;
	v47 =	vadd.s32 v2, v47;
	(erf) = vpow2.f32 v50;
	(pc) =	sbr.rel @p0 .LBB2_10-.Ltmp4, $4  }
0x181: {  	v51 =	vshll.u32 v49, $0x3;
	v50 =	vmov s15;
	(erf) = vpow2.f32 v48  }
0x182: {  	v49 =	vand.u32 $0x7F, v49;
	v51 =	vand.u32 $0x7C00, v51;
	v3 =	vshll.u32 v50, $0x3  }
0x183: {  	s15 =	sadd.s32 $0xFFFFFFFB, s13;
	v52 =	vand.u32 $0x7F, v50;
	v49 =	vor.u32 v49, v51;
	v53 =	vand.u32 $0x7C00, v3;
	v48 =	vpop (erf)  }
0x184: {  	s14 =	sadd.s32 $0xFFFFFFFA, s13;
	s13 =	sadd.s32 $0x7, s13;
	v50 =	vmov s15;
	v49 =	vadd.s32 v2, v49;
	v51 =	vor.u32 v52, v53  }
0x185: {  	_ =	sdelay $0x3  }
0x186: {  	v51 =	vadd.s32 v2, v51;
	v45 =	vld.idx.msk [tilespmem:v45+s7+$0x0], $0xffff;
	v52 =	vmov s14;
	v53 =	vshll.u32 v50, $0x3  }
0x187: {  	v58 =	vand.u32 $0x7F, v50;
	v54 =	vshll.u32 v52, $0x3;
	v53 =	vand.u32 $0x7C00, v53  }
0x188: {  	v46 =	vld.idx.msk [tilespmem:v46+s7+$0x0], $0xffff;
	v52 =	vand.u32 $0x7F, v52;
	v54 =	vand.u32 $0x3C00, v54;
	v50 =	vor.u32 v58, v53  }
0x189: {  	v47 =	vld.idx.msk [tilespmem:v47+s7+$0x0], $0xffff;
	v52 =	vor.u32 v52, v54;
	v50 =	vadd.s32 v2, v50  }
0x18a: {  	v52 =	vadd.s32 v2, v52  }
0x18b: {  	v49 =	vld.idx.msk [tilespmem:v49+s7+$0x0], $0xffff;
	v45 =	vmul.f32 $1.442695020e+00, v45  }
0x18c: {  	v51 =	vld.idx.msk [tilespmem:v51+s7+$0x0], $0xffff  }
0x18d: {  	v46 =	vmul.f32 $1.442695020e+00, v46  }
0x18e: {  	v59 =	vmul.f32 $1.442695020e+00, v47;
	(erf) = vpow2.f32 v45;
	v56 =	vld.idx.msk [tilespmem:v50+s7+$0x0], $0xffff  }
0x18f: {  	(erf) = vpow2.f32 v46;
	v45 =	vpop (erf);
	v57 =	vld.idx.msk [tilespmem:v52+s7+$0x0], $0xffff  }
0x190: {  	s20 =	simm.s32 $0x4;
	v61 =	vmul.f32 $1.442695020e+00, v49;
	(erf) = vpow2.f32 v59;
	v63 =	vpop (erf)  }
0x191: {  	v38 =	vadd.f32 v48, v38;
	v53 =	vmov s20;
	v62 =	vmul.f32 $1.442695020e+00, v51;
	v46 =	vpop (erf)  }
0x192: {  	(erf) = vpow2.f32 v61;
	v39 =	vadd.f32 v45, v39;
	v42 =	vadd.f32 v63, v42;
	v58 =	vpop (erf)  }
0x193: {  	(erf) = vpow2.f32 v62;
	v43 =	vadd.f32 v46, v43;
	v46 =	vand.u32 $0x7F, v53;
	v59 =	vpop (erf)  }
0x194: {  	s13 =	simm.s32 $0x6;
	v62 =	vmul.f32 $1.442695020e+00, v56;
	v54 =	vadd.f32 v58, v40;
	v61 =	vpop (erf);
	v55 =	vmul.f32 $1.442695020e+00, v57  }
0x195: {  	s19 =	simm.s32 $0x5;
	v47 =	vadd.f32 v59, v41;
	v59 =	vmov s13;
	v44 =	vadd.f32 v61, v44  }
0x196: {  	(erf) = vpow2.f32 v62;
	v61 =	vshll.u32 v59, $0x3;
	v62 =	vmov s19  }
0x197: {  	s23 =	simm.s32 $0x1;
	v63 =	vpop (erf);
	(erf) = vpow2.f32 v55;
	v45 =	vand.u32 $0x7C00, v61;
	v52 =	vand.u32 $0x7F, v62  }
0x198: {  	s24 =	simm.s32 $0x0;
	v61 =	vmov s23;
	v56 =	vpop (erf);
	v38 =	vadd.f32 v63, v38;
	v63 =	vshll.u32 v62, $0x3  }
0x199: {  	s21 =	simm.s32 $0x3;
	v62 =	vmov s24;
	v57 =	vpop (erf);
	v39 =	vadd.f32 v56, v39;
	v48 =	vand.u32 $0x7C00, v63  }
0x19a: {  	s22 =	simm.s32 $0x2;
	v56 =	vmov s21;
	v40 =	vadd.f32 v57, v42;
	v42 =	vand.u32 $0x7F, v59  }
0x19b: {  	v63 =	vshll.u32 v61, $0x3;
	v57 =	vmov s22;
	v42 =	vor.u32 v42, v45  }
0x19c: {  	v50 =	vpop (erf);
	v45 =	vor.u32 v52, v48;
	v59 =	vshll.u32 v57, $0x3;
	v48 =	vand.u32 $0x7F, v56  }
0x19d: {  	v43 =	vadd.f32 v50, v43;
	v58 =	vpop (erf);
	v42 =	vadd.s32 v4, v42;
	v45 =	vadd.s32 v4, v45  }
0x19e: {  	s26 =	simm.s32 $0xC;
	v52 =	vand.u32 $0x7C00, v59;
	v41 =	vadd.f32 v58, v54;
	v54 =	vshll.u32 v53, $0x3  }
0x19f: {  	v58 =	vshll.u32 v56, $0x3;
	v53 =	vand.u32 $0x7C00, v63;
	v63 =	vmov s26  }
0x1a0: {  	v55 =	vand.u32 $0x7C00, v54;
	v51 =	vand.u32 $0x7C00, v58;
	v58 =	vshll.u32 v62, $0x3  }
0x1a1: {  	s25 =	simm.s32 $0xD;
	v46 =	vor.u32 v46, v55;
	v48 =	vor.u32 v48, v51;
	v51 =	vand.u32 $0x7F, v61  }
0x1a2: {  	v61 =	vmov s25;
	v49 =	vadd.s32 v4, v46;
	v46 =	vand.u32 $0x7F, v57  }
0x1a3: {  	v48 =	vadd.s32 v4, v48;
	v51 =	vor.u32 v51, v53;
	v53 =	vand.u32 $0x7F, v61  }
0x1a4: {  	v46 =	vor.u32 v46, v52;
	v55 =	vpop (erf);
	v52 =	vand.u32 $0x7F, v62;
	v42 =	vld.idx.msk [tilespmem:v42+s7+$0x0], $0xffff;
	v51 =	vadd.s32 v4, v51  }
0x1a5: {  	v62 =	vshll.u32 v61, $0x3;
	v57 =	vadd.s32 v4, v46;
	v46 =	vand.u32 $0x3C00, v58;
	v59 =	vpop (erf)  }
0x1a6: {  	v58 =	vshll.u32 v63, $0x3;
	v46 =	vor.u32 v52, v46;
	v44 =	vadd.f32 v59, v44;
	v52 =	vld.idx.msk [tilespmem:v45+s7+$0x0], $0xffff  }
0x1a7: {  	v45 =	vadd.f32 v55, v47;
	v55 =	vand.u32 $0x7F, v63;
	v54 =	vand.u32 $0x7C00, v58;
	v47 =	vld.idx.msk [tilespmem:v49+s7+$0x0], $0xffff  }
0x1a8: {  	s28 =	simm.s32 $0xB;
	v50 =	vadd.s32 v4, v46;
	v46 =	vimm.f32 $0.0e+00;
	v61 =	vor.u32 v55, v54;
	v48 =	vld.idx.msk [tilespmem:v48+s7+$0x0], $0xffff  }
0x1a9: {  	s30 =	simm.s32 $0x9;
	v49 =	vand.u32 $0x7C00, v62;
	v62 =	vmov s28;
	v42 =	vmul.f32 $1.442695020e+00, v42  }
0x1aa: {  	v54 =	vadd.s32 v4, v61;
	v61 =	vmov s30;
	v49 =	vor.u32 v53, v49;
	v51 =	vld.idx.msk [tilespmem:v51+s7+$0x0], $0xffff  }
0x1ab: {  	v63 =	vand.u32 $0x7F, v62;
	v56 =	vld.idx.msk [tilespmem:v57+s7+$0x0], $0xffff;
	(erf) = vpow2.f32 v42;
	v42 =	vshll.u32 v62, $0x3  }
0x1ac: {  	v53 =	vadd.s32 v4, v49;
	v52 =	vmul.f32 $1.442695020e+00, v52;
	v42 =	vand.u32 $0x7C00, v42  }
0x1ad: {  	v59 =	vld.idx.msk [tilespmem:v50+s7+$0x0], $0xffff;
	v50 =	vimm.f32 $0.0e+00;
	v47 =	vmul.f32 $1.442695020e+00, v47;
	v48 =	vmul.f32 $1.442695020e+00, v48  }
0x1ae: {  	(erf) = vpow2.f32 v52;
	v42 =	vor.u32 v63, v42;
	v63 =	vshll.u32 v61, $0x3  }
0x1af: {  	v52 =	vimm.f32 $0.0e+00;
	v57 =	vmul.f32 $1.442695020e+00, v51;
	v55 =	vadd.s32 v4, v42  }
0x1b0: {  	v42 =	vand.u32 $0x7F, v61;
	v56 =	vmul.f32 $1.442695020e+00, v56;
	(erf) = vpow2.f32 v47  }
0x1b1: {  	s29 =	simm.s32 $0xA;
	v51 =	vimm.f32 $0.0e+00;
	(erf) = vpow2.f32 v48;
	v48 =	vand.u32 $0x7C00, v63  }
0x1b2: {  	v58 =	vmul.f32 $1.442695020e+00, v59;
	(erf) = vpow2.f32 v56;
	v59 =	vmov s29  }
0x1b3: {  	(erf) = vpow2.f32 v57;
	v62 =	vshll.u32 v59, $0x3;
	v49 =	vand.u32 $0x7F, v59  }
0x1b4: {  	s31 =	simm.s32 $0x8;
	v59 =	vor.u32 v42, v48;
	v48 =	vimm.f32 $0.0e+00;
	v47 =	vand.u32 $0x7C00, v62  }
0x1b5: {  	v3 =	vmovc v1;
	v5 =	vmovc v60;
	(erf) = vpow2.f32 v58;
	v58 =	vmov s31;
	v47 =	vor.u32 v49, v47  }
0x1b6: {  	s14 =	simm.s32 $0x7;
	s13 =	simm.s32 $0x14;
	v42 =	vld.idx.msk [tilespmem:v60+s7+$0x0], $0xffff;
	v56 =	vpop (erf);
	v49 =	vimm.f32 $0.0e+00;
	v57 =	vadd.s32 v4, v47;
	v47 =	vimm.f32 $0.0e+00  }
.LBB2_12:
0x1b7: {  	v61 =	vshll.u32 v58, $0x3  }
0x1b8: {  	v61 =	vand.u32 $0x7C00, v61  }
0x1b9: {  	p0 =	sne.s32 s13, $0x3E8;
	v60 =	vmov s14;
	v59 =	vadd.s32 v4, v59;
	v62 =	vpop (erf)  }
0x1ba: {  	v58 =	vand.u32 $0x7F, v58;
	v63 =	vshll.u32 v60, $0x3;
	v1 =	vpop (erf)  }
0x1bb: {  	v60 =	vand.u32 $0x7F, v60;
	v63 =	vand.u32 $0x3C00, v63;
	v58 =	vor.u32 v58, v61;
	v53 =	vld.idx.msk [tilespmem:v53+s7+$0x0], $0xffff;
	v61 =	vpop (erf)  }
0x1bc: {  	v46 =	vadd.f32 v56, v46;
	v60 =	vor.u32 v60, v63;
	v58 =	vadd.s32 v4, v58;
	v56 =	vpop (erf)  }
0x1bd: {  	v50 =	vadd.f32 v62, v50;
	v52 =	vadd.f32 v1, v52;
	v60 =	vadd.s32 v4, v60;
	v54 =	vld.idx.msk [tilespmem:v54+s7+$0x0], $0xffff;
	v1 =	vpop (erf)  }
0x1be: {  	v62 =	vmov s13;
	v48 =	vadd.f32 v61, v48;
	v51 =	vadd.f32 v56, v51;
	v55 =	vld.idx.msk [tilespmem:v55+s7+$0x0], $0xffff;
	v56 =	vpop (erf)  }
0x1bf: {  	s14 =	sadd.s32 $0xFFFFFFFF, s13;
	v61 =	vshll.u32 v62, $0x3;
	v47 =	vadd.f32 v1, v47;
	v57 =	vld.idx.msk [tilespmem:v57+s7+$0x0], $0xffff;
	v49 =	vadd.f32 v56, v49  }
0x1c0: {  	v61 =	vand.u32 $0x7C00, v61;
	v1 =	vmov s14;
	v56 =	vand.u32 $0x7F, v62;
	v59 =	vld.idx.msk [tilespmem:v59+s7+$0x0], $0xffff  }
0x1c1: {  	v62 =	vshll.u32 v1, $0x3;
	v56 =	vor.u32 v56, v61;
	v61 =	vmul.f32 $1.442695020e+00, v53;
	v58 =	vld.idx.msk [tilespmem:v58+s7+$0x0], $0xffff  }
0x1c2: {  	v1 =	vand.u32 $0x7F, v1;
	v62 =	vand.u32 $0x7C00, v62;
	v53 =	vadd.s32 v4, v56;
	v56 =	vld.idx.msk [tilespmem:v60+s7+$0x0], $0xffff  }
0x1c3: {  	s14 =	sadd.s32 $0xFFFFFFFE, s13;
	v1 =	vor.u32 v1, v62;
	v60 =	vmul.f32 $1.442695020e+00, v54;
	(erf) = vpow2.f32 v61  }
0x1c4: {  	v54 =	vadd.s32 v4, v1;
	v61 =	vmov s14;
	v1 =	vmul.f32 $1.442695020e+00, v55  }
0x1c5: {  	v55 =	vand.u32 $0x7F, v61;
	v57 =	vmul.f32 $1.442695020e+00, v57;
	(erf) = vpow2.f32 v60  }
0x1c6: {  	v60 =	vshll.u32 v61, $0x3;
	v59 =	vmul.f32 $1.442695020e+00, v59;
	(erf) = vpow2.f32 v1  }
0x1c7: {  	v1 =	vand.u32 $0x7C00, v60;
	v58 =	vmul.f32 $1.442695020e+00, v58;
	(erf) = vpow2.f32 v57  }
0x1c8: {  	s14 =	sadd.s32 $0xFFFFFFFD, s13;
	v1 =	vor.u32 v55, v1;
	v56 =	vmul.f32 $1.442695020e+00, v56;
	(erf) = vpow2.f32 v59  }
.Ltmp5:
0x1c9: {  	s15 =	sadd.s32 $0xFFFFFFFC, s13;
	v57 =	vmov s14;
	v55 =	vadd.s32 v4, v1;
	(erf) = vpow2.f32 v58;
	(pc) =	sbr.rel @p0 .LBB2_12-.Ltmp5, $4  }
0x1ca: {  	v1 =	vmov s15;
	v58 =	vshll.u32 v57, $0x3;
	(erf) = vpow2.f32 v56  }
0x1cb: {  	v60 =	vshll.u32 v1, $0x3;
	v57 =	vand.u32 $0x7F, v57;
	v58 =	vand.u32 $0x7C00, v58  }
0x1cc: {  	s15 =	sadd.s32 $0xFFFFFFFB, s13;
	v1 =	vand.u32 $0x7F, v1;
	v59 =	vand.u32 $0x7C00, v60;
	v57 =	vor.u32 v57, v58;
	v56 =	vpop (erf)  }
0x1cd: {  	s14 =	sadd.s32 $0xFFFFFFFA, s13;
	s13 =	sadd.s32 $0x7, s13;
	v58 =	vmov s15;
	v59 =	vor.u32 v1, v59;
	v57 =	vadd.s32 v4, v57  }
0x1ce: {  	v1 =	vadd.f32 v13, v12;
	_ =	sdelay $0x1  }
0x1cf: {  	v1 =	vadd.f32 v9, v1;
	_ =	sdelay $0x1  }
0x1d0: {  	v1 =	vadd.f32 v11, v1;
	_ =	sdelay $0x1  }
0x1d1: {  	v1 =	vadd.f32 v7, v1;
	_ =	sdelay $0x1  }
0x1d2: {  	v1 =	vadd.f32 v8, v1  }
0x1d3: {  	v9 =	vadd.s32 v4, v59;
	v7 =	vmov s14  }
0x1d4: {  	v62 =	vshll.u32 v58, $0x3;
	v63 =	vshll.u32 v7, $0x3;
	v1 =	vadd.f32 v6, v1  }
0x1d5: {  	v59 =	vld.idx.msk [tilespmem:v53+s7+$0x0], $0xffff;
	v7 =	vand.u32 $0x7F, v7;
	v8 =	vand.u32 $0x7C00, v62;
	v6 =	vand.u32 $0x7F, v58  }
0x1d6: {  	v60 =	vld.idx.msk [tilespmem:v54+s7+$0x0], $0xffff;
	v11 =	vand.u32 $0x3C00, v63;
	v6 =	vor.u32 v6, v8;
	v62 =	vand.u32 $0x7FFFFF, v1  }
0x1d7: {  	v61 =	vld.idx.msk [tilespmem:v55+s7+$0x0], $0xffff;
	v7 =	vor.u32 v7, v11;
	v6 =	vadd.s32 v4, v6;
	v11 =	vor.u32 $0x3F800000, v62  }
0x1d8: {  	v9 =	vld.idx.msk [tilespmem:v9+s7+$0x0], $0xffff;
	v7 =	vadd.s32 v4, v7;
	v53 =	vmul.f32 $4.342868550e-02, v11  }
0x1d9: {  	v20 =	vadd.f32 v21, v20;
	v63 =	vld.idx.msk [tilespmem:v57+s7+$0x0], $0xffff  }
0x1da: {  	v12 =	vmul.f32 $1.442695020e+00, v59;
	v53 =	vadd.f32 $-4.048646390e-01, v53  }
0x1db: {  	v55 =	vadd.f32 v18, v20;
	v13 =	vmul.f32 $1.442695020e+00, v60  }
0x1dc: {  	v60 =	vadd.f32 v56, v46;
	(erf) = vpow2.f32 v12;
	v6 =	vld.idx.msk [tilespmem:v6+s7+$0x0], $0xffff;
	v53 =	vmul.f32 v11, v53  }
0x1dd: {  	v57 =	vpop (erf);
	(erf) = vpow2.f32 v13;
	v13 =	vadd.f32 v19, v55;
	v8 =	vmul.f32 $1.442695020e+00, v61;
	v7 =	vld.idx.msk [tilespmem:v7+s7+$0x0], $0xffff  }
0x1de: {  	v59 =	vpop (erf);
	v9 =	vmul.f32 $1.442695020e+00, v9;
	v58 =	vmul.f32 $1.442695020e+00, v63;
	v12 =	vadd.f32 $1.593891260e+00, v53  }
0x1df: {  	v13 =	vadd.f32 v16, v13;
	(erf) = vpow2.f32 v8;
	v63 =	vadd.f32 v59, v52  }
0x1e0: {  	v61 =	vpop (erf);
	v8 =	vadd.f32 v57, v50;
	(erf) = vpow2.f32 v58;
	v12 =	vmul.f32 v11, v12  }
0x1e1: {  	v13 =	vadd.f32 v15, v13;
	v62 =	vpop (erf);
	(erf) = vpow2.f32 v9;
	v6 =	vmul.f32 $1.442695020e+00, v6  }
0x1e2: {  	v46 =	vpop (erf);
	v50 =	vadd.f32 v62, v51;
	v7 =	vmul.f32 $1.442695020e+00, v7;
	v12 =	vadd.f32 $-3.492475510e+00, v12  }
0x1e3: {  	v52 =	vadd.f32 v14, v13;
	v51 =	vpop (erf);
	v9 =	vadd.f32 v46, v47;
	(erf) = vpow2.f32 v6  }
0x1e4: {  	v54 =	vadd.f32 v51, v49;
	(erf) = vpow2.f32 v7;
	v7 =	vmul.f32 v11, v12  }
0x1e5: {  	v1 =	vshra.s32 v1, $0x17;
	v53 =	vadd.f32 v61, v48;
	v61 =	vadd.f32 v29, v28  }
0x1e6: {  	v57 =	vand.u32 $0x7FFFFF, v52;
	v28 =	vadd.f32 v37, v36;
	v7 =	vadd.f32 $5.046859740e+00, v7  }
0x1e7: {  	v58 =	vor.u32 $0x3F800000, v57;
	v37 =	vadd.f32 v45, v44;
	v16 =	vadd.f32 v26, v61  }
0x1e8: {  	v59 =	vmul.f32 $4.342868550e-02, v58;
	v36 =	vadd.f32 v33, v28;
	v7 =	vmul.f32 v11, v7  }
0x1e9: {  	v1 =	vadd.s32 $0xFFFFFF81, v1;
	v45 =	vadd.f32 v41, v37;
	v16 =	vadd.f32 v27, v16  }
0x1ea: {  	v1 =	vcvt.s32.f32 v1;
	v11 =	vadd.f32 $-4.048646390e-01, v59;
	v7 =	vadd.f32 $-2.786807540e+00, v7  }
0x1eb: {  	v6 =	vpop (erf);
	v29 =	vadd.f32 v25, v16;
	v16 =	vadd.f32 v35, v36  }
0x1ec: {  	v12 =	vadd.f32 v43, v45;
	v55 =	vpop (erf);
	v1 =	vadd.f32 v1, v7;
	v7 =	vmul.f32 v58, v11  }
0x1ed: {  	v6 =	vadd.f32 v6, v60;
	v56 =	vpop (erf);
	v14 =	vadd.f32 v24, v29  }
0x1ee: {  	v8 =	vadd.f32 v55, v8;
	v60 =	vpop (erf);
	v7 =	vadd.f32 $1.593891260e+00, v7  }
0x1ef: {  	v44 =	vshra.s32 v52, $0x17;
	v16 =	vadd.f32 v32, v16;
	v62 =	vpop (erf);
	v14 =	vadd.f32 v23, v14  }
0x1f0: {  	v12 =	vadd.f32 v40, v12;
	v18 =	vadd.f32 v56, v63;
	v63 =	vpop (erf);
	v7 =	vmul.f32 v58, v7  }
0x1f1: {  	v16 =	vadd.f32 v31, v16;
	v46 =	vand.u32 $0x7FFFFF, v14;
	v26 =	vpop (erf);
	v9 =	vadd.f32 v63, v9  }
0x1f2: {  	v20 =	vor.u32 $0x3F800000, v46;
	v11 =	vadd.f32 v26, v54;
	v7 =	vadd.f32 $-3.492475510e+00, v7  }
0x1f3: {  	v13 =	vadd.f32 v60, v53;
	v15 =	vadd.f32 v62, v50;
	v47 =	vmul.f32 $4.342868550e-02, v20  }
0x1f4: {  	v16 =	vadd.f32 v30, v16;
	v9 =	vadd.f32 v9, v11;
	v7 =	vmul.f32 v58, v7  }
0x1f5: {  	v12 =	vadd.f32 v39, v12;
	v1 =	vmul.f32 $6.931471820e-01, v1;
	v11 =	vadd.f32 $-4.048646390e-01, v47  }
0x1f6: {  	v48 =	vand.u32 $0x7FFFFF, v16;
	v9 =	vadd.f32 v15, v9;
	v7 =	vadd.f32 $5.046859740e+00, v7  }
0x1f7: {  	v12 =	vadd.f32 v38, v12;
	v1 =	vadd.f32 $0.0e+00, v1;
	v15 =	vor.u32 $0x3F800000, v48  }
0x1f8: {  	v11 =	vmul.f32 v20, v11;
	v9 =	vadd.f32 v13, v9;
	v7 =	vmul.f32 v58, v7  }
0x1f9: {  	v1 =	vsub.f32 v1, v10;
	v10 =	vadd.s32 $0xFFFFFF81, v44;
	v49 =	vmul.f32 $4.342868550e-02, v15  }
0x1fa: {  	v10 =	vcvt.s32.f32 v10;
	v9 =	vadd.f32 v18, v9;
	v7 =	vadd.f32 $-2.786807540e+00, v7  }
0x1fb: {  	v11 =	vadd.f32 $1.593891260e+00, v11;
	v13 =	vadd.f32 $-4.048646390e-01, v49  }
0x1fc: {  	v50 =	vand.u32 $0x7FFFFF, v12;
	v8 =	vadd.f32 v8, v9;
	v7 =	vadd.f32 v10, v7  }
0x1fd: {  	v51 =	vmul.f32 v20, v11;
	v52 =	vmul.f32 v15, v13;
	v10 =	vor.u32 $0x3F800000, v50  }
0x1fe: {  	v6 =	vadd.f32 v6, v8;
	v53 =	vmul.f32 $4.342868550e-02, v10;
	v7 =	vmul.f32 $6.931471820e-01, v7  }
0x1ff: {  	v54 =	vadd.f32 $-3.492475510e+00, v51;
	v55 =	vadd.f32 $1.593891260e+00, v52  }
0x200: {  	v56 =	vand.u32 $0x7FFFFF, v6;
	v1 =	vadd.f32 v7, v1;
	v7 =	vadd.f32 $-4.048646390e-01, v53  }
0x201: {  	v8 =	vmul.f32 v20, v54;
	v9 =	vmul.f32 v15, v55;
	v11 =	vor.u32 $0x3F800000, v56  }
0x202: {  	v58 =	vmul.f32 $4.342868550e-02, v11;
	v7 =	vmul.f32 v10, v7  }
0x203: {  	v8 =	vadd.f32 $5.046859740e+00, v8;
	v9 =	vadd.f32 $-3.492475510e+00, v9  }
0x204: {  	v13 =	vadd.f32 $-4.048646390e-01, v58;
	v7 =	vadd.f32 $1.593891260e+00, v7  }
0x205: {  	v57 =	vld [tilespmem:$0x1FFF0];
	v14 =	vshra.s32 v14, $0x17;
	v8 =	vmul.f32 v20, v8;
	v9 =	vmul.f32 v15, v9  }
0x206: {  	v14 =	vadd.s32 $0xFFFFFF81, v14;
	v13 =	vmul.f32 v11, v13;
	v7 =	vmul.f32 v10, v7  }
0x207: {  	v14 =	vcvt.s32.f32 v14;
	v8 =	vadd.f32 $-2.786807540e+00, v8;
	v9 =	vadd.f32 $5.046859740e+00, v9  }
0x208: {  	v59 =	vshra.s32 v16, $0x17;
	v13 =	vadd.f32 $1.593891260e+00, v13;
	v7 =	vadd.f32 $-3.492475510e+00, v7  }
0x209: {  	v8 =	vadd.f32 v14, v8;
	v14 =	vadd.s32 $0xFFFFFF81, v59;
	v9 =	vmul.f32 v15, v9  }
0x20a: {  	v1 =	vsub.f32 v1, v57;
	v13 =	vmul.f32 v11, v13;
	v7 =	vmul.f32 v10, v7  }
0x20b: {  	v14 =	vcvt.s32.f32 v14;
	v8 =	vmul.f32 $6.931471820e-01, v8;
	v9 =	vadd.f32 $-2.786807540e+00, v9  }
0x20c: {  	v13 =	vadd.f32 $-3.492475510e+00, v13;
	v7 =	vadd.f32 $5.046859740e+00, v7  }
0x20d: {  	v61 =	vshra.s32 v12, $0x17;
	v1 =	vadd.f32 v8, v1;
	v60 =	vadd.f32 v14, v9  }
0x20e: {  	v9 =	vadd.s32 $0xFFFFFF81, v61;
	v62 =	vmul.f32 v11, v13;
	v7 =	vmul.f32 v10, v7  }
0x20f: {  	v6 =	vshra.s32 v6, $0x17;
	v1 =	vsub.f32 v1, v22;
	v9 =	vcvt.s32.f32 v9  }
0x210: {  	v8 =	vmul.f32 $6.931471820e-01, v60;
	v10 =	vadd.f32 $5.046859740e+00, v62;
	v7 =	vadd.f32 $-2.786807540e+00, v7  }
0x211: {  	v6 =	vadd.s32 $0xFFFFFF81, v6  }
0x212: {  	v1 =	vadd.f32 v8, v1;
	v63 =	vmul.f32 v11, v10;
	v7 =	vadd.f32 v9, v7  }
0x213: {  	v6 =	vcvt.s32.f32 v6  }
0x214: {  	v1 =	vsub.f32 v1, v34;
	v8 =	vadd.f32 $-2.786807540e+00, v63;
	v7 =	vmul.f32 $6.931471820e-01, v7;
	_ =	sdelay $0x1  }
0x215: {  	v6 =	vadd.f32 v6, v8;
	v1 =	vadd.f32 v7, v1  }
0x216: {  	v7 =	vld.idx.msk [tilespmem:v17+s7+$0x0], $0xffff  }
0x217: {  	v6 =	vmul.f32 $6.931471820e-01, v6;
	v1 =	vsub.f32 v1, v42;
	_ =	sdelay $0x1  }
0x218: {  	v1 =	vadd.f32 v6, v1;
	_ =	sdelay $0x1  }
0x219: {  	s12 =	sadd.s32 $0x1, s12;
	v1 =	vsub.f32 v1, v7  }
0x21a: {  	p0 =	sne.s32 s12, s6  }
.Ltmp6:
0x21b: {  	[tilespmem:$0x18000] =	vst v1;
	(pc) =	sbr.rel @p0 .LBB2_1-.Ltmp6, $4  }
0x21c: {  	[hbm4b:s5+s2] =	stream.linear.scatter [tilespmem:s10], [sflag:$0x3], $0x10, $0x38;
	[tilespmem:$0x18080] =	vst v63  }
0x21d: {  	_ =	swait.ge [sflag:s11], $0x10  }
0x21e: {  	[sflag:s11] =	ssyncset.done $0x0  }
0x21f: {  	v41 =	vmov v17;
	v60 =	vmov v5;
	v1 =	vmov v3;
	[sflag:s11] =	ssyncadd.s32 $0xFFFFFFF0  }
0x220: {  	_ =	sfence.sel $0x180000  }
0x221: {  	[bflag:$0x0] =	sbarrier.arrive $0xFFFF  }
0x222: {  	p0 =	sne.s32 s0, $0x0;
	_ =	strace $0x90000047  }
0x223: {  	s0 =	sadd.s32 @!p0 $0x100000, s1;
	[bflag:$0x2] =	sbarrier.arrive $0xFFFF  }
0x224: {  	[sflag:s0] =	ssyncadd.tile.s32 @!p0 $0x1;
	_ =	shalt  }
.Lfunc_end2:
_tile_overlayer_lowered:
.L_overlay_start_2:
0x225: {  	(tag) =	ssettag $0x2  }
0x226: {  	s0 =	rddreg [dreg:$0x0];
	s2 =	stileid.u32  }
0x227: {  	s1 =	rddreg [dreg:$0x1];
	p0 =	sne.s32 s2, $0x0  }
0x228: {  	s3 =	rddreg [dreg:$0x2];
	[bflag:$0x3] =	sbarrier.arrive $0xFFFF;
	s2 =	simm.s32 @!p0 $0x1C03  }
0x229: {  	[timem:s3], [sflag:s2] =	dma.local @!p0 [hbm:s0], s1  }
0x22a: {  	s0 =	simm.s32 @!p0 $0x3  }
0x22b: {  	_ =	swait.ge @!p0 [sflag:s0], s1  }
0x22c: {  	s1 =	ssub.s32 @!p0 $0x0, s1;
	[sflag:s0] =	ssyncset.done @!p0 $0x0  }
0x22d: {  	[sflag:s0] =	ssyncadd.s32 @!p0 s1  }
0x22e: {  	[bflag:$0x3] =	sbarrier.arrive $0xFFFF  }
0x22f: {  	_ =	shalt  }

</sc_bundles>
